<compile_context>
chip_gen: v7x
topology: tpu7x:2x2x1
jax: 0.10.2.dev20260603
libtpu: 0.0.44.dev20260713+nightly
codegen_flags: <defaults>
</compile_context>

<pallas_src>
import jax
import jax.numpy as jnp
from jax.experimental import pallas as pl
from jax.experimental.pallas import tpu as pltpu
from jax.experimental.pallas import tpu_sc as plsc

N = 4096
HID = 1024
FFNN = 3072
K = 1638
LN_EPS = 1e-5
ROWS = 512
NG = 512
SLOTPAD = 8192


def _safe_log(x):
    return jnp.clip(jnp.log(jnp.clip(x, 1e-12, 1.0)), -100.0, 0.0)


def _mlp_kernel(x_ref, w_ref, b_ref, g_ref, bb_ref, wc_ref, bc_ref,
                out_ref, d_ref):
    h = jnp.dot(x_ref[...], w_ref[...], preferred_element_type=jnp.float32)
    h = h + b_ref[...]
    h = 0.5 * h * (1.0 + jax.lax.erf(h * 0.7071067811865476))
    mu = jnp.mean(h, axis=-1, keepdims=True)
    var = jnp.mean((h - mu) ** 2, axis=-1, keepdims=True)
    h = (h - mu) / jnp.sqrt(var + LN_EPS) * g_ref[...] + bb_ref[...]
    logits = jnp.dot(h, wc_ref[...], preferred_element_type=jnp.float32)
    logits = logits + bc_ref[...]
    p = jax.nn.sigmoid(logits)
    out_ref[...] = p
    base = pl.program_id(0) * ROWS
    idx = (jax.lax.broadcasted_iota(jnp.int32, (ROWS, 1), 0)
           + base).astype(jnp.float32)
    lane = jax.lax.broadcasted_iota(jnp.int32, (ROWS, 128), 1)
    d_ref[...] = jnp.where(lane == 0, p, jnp.where(lane == 1, idx, 0.0))


def _flat_cumsum(x):
    li = jax.lax.broadcasted_iota(jnp.int32, (128, 128), 0)
    lj = jax.lax.broadcasted_iota(jnp.int32, (128, 128), 1)
    upper = (li <= lj).astype(jnp.float32)
    within = jnp.dot(x, upper, preferred_element_type=jnp.float32)
    row_tot = within[:, 127:128]
    ri = jax.lax.broadcasted_iota(jnp.int32, (32, 32), 0)
    rj = jax.lax.broadcasted_iota(jnp.int32, (32, 32), 1)
    strict = (rj < ri).astype(jnp.float32)
    offs = jnp.dot(strict, row_tot, preferred_element_type=jnp.float32)
    return within + offs


def _select_kernel(p_ref, q_ref, l1m_ref, tot_ref):
    p = p_ref[...]
    bits = jax.lax.bitcast_convert_type(p, jnp.int32)

    def body(_, carry):
        lo, hi = carry
        mid = lo + (hi - lo + 1) // 2
        cnt = jnp.sum((bits >= mid).astype(jnp.int32))
        ok = cnt >= K
        return jnp.where(ok, mid, lo), jnp.where(ok, hi, mid - 1)

    thr, _ = jax.lax.fori_loop(
        0, 31, body, (jnp.int32(0), jnp.int32(0x3F800000))
    )
    gt = bits > thr
    eq = bits == thr
    n_gt = jnp.sum(gt.astype(jnp.float32))
    need = jnp.float32(K) - n_gt
    cs_eq = _flat_cumsum(eq.astype(jnp.float32))
    sel = jnp.logical_or(gt, jnp.logical_and(eq, cs_eq <= need))
    pos = _flat_cumsum(sel.astype(jnp.float32))
    flat = (jax.lax.broadcasted_iota(jnp.int32, (32, 128), 0) * 128
            + jax.lax.broadcasted_iota(jnp.int32, (32, 128), 1))
    q_ref[...] = jnp.where(sel, (pos - 1.0).astype(jnp.int32), N + flat)
    l1m = _safe_log(1.0 - p)
    l1m_ref[...] = l1m
    tot_ref[...] = jnp.sum(l1m).reshape(1, 1)


def _cost_kernel(pc_ref, gold_ref, l1m_ref, tot_ref, cost_ref):
    probs_col = pc_ref[...]
    phi = probs_col.astype(jnp.bfloat16)
    plo = (probs_col - phi.astype(jnp.float32)).astype(jnp.bfloat16)
    gcol = gold_ref[...]
    gl = jax.lax.broadcasted_iota(jnp.int32, (NG, N), 1)
    ohg = (gcol == gl).astype(jnp.float32).astype(jnp.bfloat16)
    pv = jnp.concatenate([phi, plo], axis=1)
    gp2 = jnp.dot(ohg, pv, preferred_element_type=jnp.float32)
    gp = gp2[:, 0:1] + gp2[:, 1:2]
    cost_gold = -jnp.mean(_safe_log(gp))
    counts = jnp.dot(jnp.ones((1, NG), jnp.bfloat16), ohg,
                     preferred_element_type=jnp.float32)
    mask_f = (counts > 0.5).astype(jnp.float32)
    l1hi = l1m_ref[...].astype(jnp.bfloat16)
    l1lo = (l1m_ref[...] - l1hi.astype(jnp.float32)).astype(jnp.bfloat16)
    l1v = jnp.concatenate([l1hi, l1lo], axis=1)
    masked2 = jnp.dot(mask_f.astype(jnp.bfloat16), l1v,
                      preferred_element_type=jnp.float32)
    masked = masked2[:, 0:1] + masked2[:, 1:2]
    junk_count = jnp.float32(N) - jnp.sum(mask_f)
    junk_sum = tot_ref[...] - masked
    cost_ref[...] = cost_gold.reshape(1, 1) - junk_sum / junk_count


def _sc_scatter(pdata, q32):

    @pl.kernel(
        out_type=jax.ShapeDtypeStruct((SLOTPAD, 128), jnp.float32),
        mesh=plsc.VectorSubcoreMesh(core_axis_name="core",
                                    subcore_axis_name="subcore"),
        scratch_types=[],
    )
    def body(d_hbm, q_hbm, o_hbm):
        def inner(d_v, q_v):
            pltpu.sync_copy(d_v, o_hbm.at[q_v.at[0]])

        pltpu.emit_pipeline(
            inner,
            grid=(32,),
            in_specs=[
                pl.BlockSpec((128, 128), index_map=lambda i: (i, 0)),
                pl.BlockSpec((1, 128), index_map=lambda i: (i, 0)),
            ],
            out_specs=[],
            core_axis_name=("core", "subcore"),
            dimension_semantics=(pltpu.PARALLEL,),
        )(d_hbm, q_hbm)

    return body(pdata, q32)


def kernel(mentions, gold_indices, W_dense, b_dense, ln_gamma, ln_beta,
           W_cls, b_cls):
    probs_col, pdata = pl.pallas_call(
        _mlp_kernel,
        grid=(N // ROWS,),
        in_specs=[
            pl.BlockSpec((ROWS, HID), lambda i: (i, 0)),
            pl.BlockSpec((HID, FFNN), lambda i: (0, 0)),
            pl.BlockSpec((1, FFNN), lambda i: (0, 0)),
            pl.BlockSpec((1, FFNN), lambda i: (0, 0)),
            pl.BlockSpec((1, FFNN), lambda i: (0, 0)),
            pl.BlockSpec((FFNN, 1), lambda i: (0, 0)),
            pl.BlockSpec((1, 1), lambda i: (0, 0)),
        ],
        out_specs=(
            pl.BlockSpec((ROWS, 1), lambda i: (i, 0)),
            pl.BlockSpec((ROWS, 128), lambda i: (i, 0)),
        ),
        out_shape=(
            jax.ShapeDtypeStruct((N, 1), jnp.float32),
            jax.ShapeDtypeStruct((N, 128), jnp.float32),
        ),
    )(
        mentions,
        W_dense,
        b_dense.reshape(1, FFNN),
        ln_gamma.reshape(1, FFNN),
        ln_beta.reshape(1, FFNN),
        W_cls,
        b_cls.reshape(1, 1),
    )

    probs32 = probs_col.reshape(32, 128)
    q32, l1m32, tot = pl.pallas_call(
        _select_kernel,
        out_shape=(
            jax.ShapeDtypeStruct((32, 128), jnp.int32),
            jax.ShapeDtypeStruct((32, 128), jnp.float32),
            jax.ShapeDtypeStruct((1, 1), jnp.float32),
        ),
    )(probs32)

    out16 = _sc_scatter(pdata, q32)

    cost = pl.pallas_call(
        _cost_kernel,
        out_shape=jax.ShapeDtypeStruct((1, 1), jnp.float32),
    )(
        probs_col,
        gold_indices.astype(jnp.int32).reshape(NG, 1),
        l1m32.reshape(N, 1),
        tot,
    )

    top_scores = out16[:K, 0]
    indices = jnp.round(out16[:K, 1]).astype(jnp.int32)
    return (top_scores, indices, cost.reshape(()))

# --- scband reference (transcript-rebuilt; emitter-appended) ---
"""Pipeline reference for scband-rough-scorer-52458730553519 (READ-ONLY COPY).

The authoritative reference and input builder live on the scoring server;
editing this copy changes nothing except your own understanding.
"""

import jax, jax.numpy as jnp
import numpy as np

N = 4096
HID = 1024
FFNN = 3072
TOPK_LAMBDA = 0.4
LN_EPS = 1e-5


def setup_inputs(seed: int = 0) -> dict:
    key = jax.random.key(seed)
    ks = jax.random.split(key, 8)
    mentions = jax.random.normal(ks[0], (N, HID), dtype=jnp.float32)
    gold_indices = jax.random.randint(ks[1], (512,), 0, N, dtype=jnp.int64 if jax.config.jax_enable_x64 else jnp.int32)
    W_dense = jax.random.normal(ks[2], (HID, FFNN), dtype=jnp.float32) * 0.02
    b_dense = jnp.zeros((FFNN,), dtype=jnp.float32)
    ln_gamma = jnp.ones((FFNN,), dtype=jnp.float32)
    ln_beta = jnp.zeros((FFNN,), dtype=jnp.float32)
    W_cls = jax.random.normal(ks[3], (FFNN, 1), dtype=jnp.float32) * 0.02
    b_cls = jnp.zeros((1,), dtype=jnp.float32)
    return {
        "mentions": mentions,
        "gold_indices": gold_indices,
        "W_dense": W_dense,
        "b_dense": b_dense,
        "ln_gamma": ln_gamma,
        "ln_beta": ln_beta,
        "W_cls": W_cls,
        "b_cls": b_cls,
    }


def _safe_log(x):
    return jnp.clip(jnp.log(jnp.clip(x, 1e-12, 1.0)), -100.0, 0.0)


def reference(mentions, gold_indices, W_dense, b_dense, ln_gamma, ln_beta, W_cls, b_cls):
    # FullyConnectedLayer (dropout in eval mode = identity)
    h = mentions @ W_dense + b_dense
    h = jax.nn.gelu(h, approximate=False)
    mu = jnp.mean(h, axis=-1, keepdims=True)
    var = jnp.mean((h - mu) ** 2, axis=-1, keepdims=True)
    h = (h - mu) / jnp.sqrt(var + LN_EPS) * ln_gamma + ln_beta
    # mention classifier -> sigmoid probs
    mention_logits = (h @ W_cls + b_cls).squeeze(-1)
    mention_logits = jax.nn.sigmoid(mention_logits)
    # top-k (sorted=False in torch; then re-sorted by index)
    k = int(TOPK_LAMBDA * mention_logits.shape[0])
    top_scores, indices = jax.lax.top_k(mention_logits, k)
    ind_sort = jnp.argsort(indices)
    indices = indices[ind_sort]
    top_scores = top_scores[ind_sort]
    # cost_is_mention: BCE(gold, 1) + BCE(junk, 0)
    gold_mask = jnp.zeros((mention_logits.shape[0],), dtype=bool).at[gold_indices].set(True)
    gold_probs = mention_logits[gold_indices]
    cost_is_mention = -jnp.mean(_safe_log(gold_probs))
    junk_mask = ~gold_mask
    junk_log = jnp.where(junk_mask, _safe_log(1.0 - mention_logits), 0.0)
    junk_count = jnp.sum(junk_mask)
    cost_is_mention = cost_is_mention + (-(jnp.sum(junk_log) / junk_count))
    return (top_scores, indices, cost_is_mention)

if __name__ == "__main__":
    import jax
    _d = setup_inputs()
    print(jax.jit(kernel)(*tuple(_d.values())))

</pallas_src>

<mosaic_0001>
#map = affine_map<(d0, d1) -> (0, 0)>
module attributes {stable_mosaic.version = 14 : i64} {
  func.func @body(%arg0: i32, %arg1: i32, %arg2: memref<4096x128xf32, #tpu.memory_space<hbm>>, %arg3: memref<32x128xi32, #tpu.memory_space<hbm>>, %arg4: memref<8192x128xf32, #tpu.memory_space<hbm>>) attributes {dimension_semantics = [#tpu.dimension_semantics<core_parallel>, #tpu.dimension_semantics<subcore_parallel>], iteration_bounds = array<i64: 2, 16>, scalar_prefetch = 0 : i64, scratch_operands = 0 : i64, tpu.core_type = #tpu.core_type<sc_vector_subcore>, window_params = [{transform_indices = #map}, {transform_indices = #map}, {transform_indices = #map}]} {
    %mul3A = arith.constant 1 : i32
    %mul3A_0 = arith.muli %arg1, %mul3A : i32
    %add3A = arith.constant 0 : i32
    %add3A_1 = arith.addi %add3A, %mul3A_0 : i32
    %mul3A_2 = arith.constant 16 : i32
    %mul3A_3 = arith.muli %arg0, %mul3A_2 : i32
    %add3A_4 = arith.addi %add3A_1, %mul3A_3 : i32
    %mul3A_5 = arith.constant 1 : i32
    %mul3A_6 = arith.muli %add3A_4, %mul3A_5 : i32
    "tpu.region"() ({
      %run_scoped3A = memref.alloca() : memref<2x128x128xf32, #tpu.memory_space<vmem>>
      %run_scoped3A_7 = tpu.sem_alloc : memref<2x!tpu.dma_semaphore, #tpu.memory_space<semaphore_mem>>
      %run_scoped3A_8 = memref.alloca() : memref<2x1x128xi32, #tpu.memory_space<vmem>>
      %run_scoped3A_9 = tpu.sem_alloc : memref<2x!tpu.dma_semaphore, #tpu.memory_space<semaphore_mem>>
      %add3A_10 = arith.constant 0 : i32
      %add3A_11 = arith.addi %add3A_10, %mul3A_6 : i32
      %select_n3A = arith.constant true
      %select_n3A_12 = arith.constant 0 : i32
      %select_n3A_13 = arith.constant -1 : i32
      %select_n3A_14 = arith.select %select_n3A, %select_n3A_13, %select_n3A_12 : i32
      %eq3A = arith.constant -1 : i32
      %eq3A_15 = arith.cmpi eq, %select_n3A_14, %eq3A : i32
      %select_n3A_16 = arith.constant 0 : i32
      %select_n3A_17 = arith.select %eq3A_15, %select_n3A_16, %select_n3A_14 : i32
      %add3A_18 = arith.constant 0 : i32
      %add3A_19 = arith.addi %add3A_18, %mul3A_6 : i32
      %select_n3A_20 = arith.constant true
      %select_n3A_21 = arith.constant 0 : i32
      %select_n3A_22 = arith.constant 1 : i32
      %select_n3A_23 = arith.select %select_n3A_20, %select_n3A_22, %select_n3A_21 : i32
      %eq3A_24 = arith.constant 1 : i32
      %eq3A_25 = arith.cmpi eq, %select_n3A_23, %eq3A_24 : i32
      %select_n3A_26 = arith.constant 0 : i32
      %select_n3A_27 = arith.select %eq3A_25, %select_n3A_26, %select_n3A_23 : i32
      %add3A_28 = arith.constant 0 : i32
      %add3A_29 = arith.addi %add3A_28, %mul3A_6 : i32
      %select_n3A_30 = arith.constant true
      %select_n3A_31 = arith.constant 0 : i32
      %select_n3A_32 = arith.constant 1 : i32
      %select_n3A_33 = arith.select %select_n3A_30, %select_n3A_32, %select_n3A_31 : i32
      %eq3A_34 = arith.constant 1 : i32
      %eq3A_35 = arith.cmpi eq, %select_n3A_33, %eq3A_34 : i32
      %select_n3A_36 = arith.constant 0 : i32
      %select_n3A_37 = arith.select %eq3A_35, %select_n3A_36, %select_n3A_33 : i32
      %add3A_38 = arith.constant 0 : i32
      %add3A_39 = arith.addi %add3A_38, %mul3A_6 : i32
      "tpu.trace_start"() <{level = 10 : i32, message = "ep_initialize_0"}> : () -> ()
      %rem3A = arith.constant 0 : i32
      %rem3A_40 = arith.constant 2 : i32
      %rem3A_41 = arith.remui %rem3A, %rem3A_40 : i32
      %mul3A_42 = arith.constant 128 : i32
      %mul3A_43 = arith.muli %mul3A_42, %add3A_11 : i32
      %dma_start3A = arith.constant 0 : i32
      %dma_start3A_44 = arith.constant 0 : i32
      %dma_start3A_45 = tpu.memref_slice %run_scoped3A[%rem3A_41, %dma_start3A, %dma_start3A_44] : memref<2x128x128xf32, #tpu.memory_space<vmem>> -> memref<1x128x128xf32, #tpu.memory_space<vmem>>
      %dma_start3A_46 = tpu.memref_squeeze %dma_start3A_45 : memref<1x128x128xf32, #tpu.memory_space<vmem>> -> memref<128x128xf32, #tpu.memory_space<vmem>>
      %dma_start3A_47 = arith.constant 0 : i32
      %dma_start3A_48 = tpu.memref_slice %arg2[%mul3A_43, %dma_start3A_47] : memref<4096x128xf32, #tpu.memory_space<hbm>> -> memref<128x128xf32, #tpu.memory_space<hbm>>
      %dma_start3A_49 = tpu.memref_slice %run_scoped3A_7[%rem3A_41] : memref<2x!tpu.dma_semaphore, #tpu.memory_space<semaphore_mem>> -> memref<1x!tpu.dma_semaphore, #tpu.memory_space<semaphore_mem>>
      %dma_start3A_50 = tpu.memref_squeeze %dma_start3A_49 : memref<1x!tpu.dma_semaphore, #tpu.memory_space<semaphore_mem>> -> memref<!tpu.dma_semaphore, #tpu.memory_space<semaphore_mem>>
      %dma_start3A_51 = arith.constant 0 : i32
      %dma_start3A_52 = arith.constant 0 : i32
      %dma_start3A_53 = tpu.memref_slice %run_scoped3A[%rem3A_41, %dma_start3A_51, %dma_start3A_52] : memref<2x128x128xf32, #tpu.memory_space<vmem>> -> memref<1x128x128xf32, #tpu.memory_space<vmem>>
      %dma_start3A_54 = tpu.memref_squeeze %dma_start3A_53 : memref<1x128x128xf32, #tpu.memory_space<vmem>> -> memref<128x128xf32, #tpu.memory_space<vmem>>
      %dma_start3A_55 = arith.constant 0 : i32
      %dma_start3A_56 = tpu.memref_slice %arg2[%mul3A_43, %dma_start3A_55] : memref<4096x128xf32, #tpu.memory_space<hbm>> -> memref<128x128xf32, #tpu.memory_space<hbm>>
      tpu.enqueue_dma source(%dma_start3A_56 : memref<128x128xf32, #tpu.memory_space<hbm>>) target(%dma_start3A_54 : memref<128x128xf32, #tpu.memory_space<vmem>>) target_semaphore(%dma_start3A_50 : memref<!tpu.dma_semaphore, #tpu.memory_space<semaphore_mem>>)
      %add3A_57 = arith.constant 0 : i32
      %add3A_58 = arith.constant 1 : i32
      %add3A_59 = arith.addi %add3A_57, %add3A_58 : i32
      %select_n3A_60 = arith.constant true
      %select_n3A_61 = arith.constant 0 : i32
      %select_n3A_62 = arith.select %select_n3A_60, %add3A_59, %select_n3A_61 : i32
      %rem3A_63 = arith.constant 0 : i32
      %rem3A_64 = arith.constant 2 : i32
      %rem3A_65 = arith.remui %rem3A_63, %rem3A_64 : i32
      %mul3A_66 = arith.constant 1 : i32
      %mul3A_67 = arith.muli %mul3A_66, %add3A_11 : i32
      %dma_start3A_68 = arith.constant 0 : i32
      %dma_start3A_69 = arith.constant 0 : i32
      %dma_start3A_70 = tpu.memref_slice %run_scoped3A_8[%rem3A_65, %dma_start3A_68, %dma_start3A_69] : memref<2x1x128xi32, #tpu.memory_space<vmem>> -> memref<1x1x128xi32, #tpu.memory_space<vmem>>
      %dma_start3A_71 = tpu.memref_squeeze %dma_start3A_70 : memref<1x1x128xi32, #tpu.memory_space<vmem>> -> memref<1x128xi32, #tpu.memory_space<vmem>>
      %dma_start3A_72 = arith.constant 0 : i32
      %dma_start3A_73 = tpu.memref_slice %arg3[%mul3A_67, %dma_start3A_72] : memref<32x128xi32, #tpu.memory_space<hbm>> -> memref<1x128xi32, #tpu.memory_space<hbm>>
      %dma_start3A_74 = tpu.memref_slice %run_scoped3A_9[%rem3A_65] : memref<2x!tpu.dma_semaphore, #tpu.memory_space<semaphore_mem>> -> memref<1x!tpu.dma_semaphore, #tpu.memory_space<semaphore_mem>>
      %dma_start3A_75 = tpu.memref_squeeze %dma_start3A_74 : memref<1x!tpu.dma_semaphore, #tpu.memory_space<semaphore_mem>> -> memref<!tpu.dma_semaphore, #tpu.memory_space<semaphore_mem>>
      %dma_start3A_76 = arith.constant 0 : i32
      %dma_start3A_77 = arith.constant 0 : i32
      %dma_start3A_78 = tpu.memref_slice %run_scoped3A_8[%rem3A_65, %dma_start3A_76, %dma_start3A_77] : memref<2x1x128xi32, #tpu.memory_space<vmem>> -> memref<1x1x128xi32, #tpu.memory_space<vmem>>
      %dma_start3A_79 = tpu.memref_squeeze %dma_start3A_78 : memref<1x1x128xi32, #tpu.memory_space<vmem>> -> memref<1x128xi32, #tpu.memory_space<vmem>>
      %dma_start3A_80 = arith.constant 0 : i32
      %dma_start3A_81 = tpu.memref_slice %arg3[%mul3A_67, %dma_start3A_80] : memref<32x128xi32, #tpu.memory_space<hbm>> -> memref<1x128xi32, #tpu.memory_space<hbm>>
      tpu.enqueue_dma source(%dma_start3A_81 : memref<1x128xi32, #tpu.memory_space<hbm>>) target(%dma_start3A_79 : memref<1x128xi32, #tpu.memory_space<vmem>>) target_semaphore(%dma_start3A_75 : memref<!tpu.dma_semaphore, #tpu.memory_space<semaphore_mem>>)
      %add3A_82 = arith.constant 0 : i32
      %add3A_83 = arith.constant 1 : i32
      %add3A_84 = arith.addi %add3A_82, %add3A_83 : i32
      %select_n3A_85 = arith.constant true
      %select_n3A_86 = arith.constant 0 : i32
      %select_n3A_87 = arith.select %select_n3A_85, %add3A_84, %select_n3A_86 : i32
      "tpu.trace_stop"() : () -> ()
      %scan3A = arith.constant 0 : i32
      %scan3A_88 = arith.constant 0 : i32
      %scan3A_89 = arith.constant 0 : i32
      %scan3A_90 = arith.constant 0 : i32
      %eq3A_91 = arith.constant 0 : i32
      %eq3A_92 = arith.cmpi eq, %scan3A_90, %eq3A_91 : i32
      %eq3A_93 = arith.constant 0 : i32
      %eq3A_94 = arith.cmpi eq, %scan3A_90, %eq3A_93 : i32
      %add3A_95 = arith.constant 0 : i32
      %add3A_96 = arith.addi %add3A_95, %mul3A_6 : i32
      %select_n3A_97 = arith.constant true
      %select_n3A_98 = arith.constant 0 : i32
      %select_n3A_99 = arith.constant -1 : i32
      %select_n3A_100 = arith.select %select_n3A_97, %select_n3A_99, %select_n3A_98 : i32
      %eq3A_101 = arith.constant -1 : i32
      %eq3A_102 = arith.cmpi eq, %select_n3A_100, %eq3A_101 : i32
      %select_n3A_103 = arith.constant 0 : i32
      %select_n3A_104 = arith.select %eq3A_102, %select_n3A_103, %select_n3A_100 : i32
      %add3A_105 = arith.constant 0 : i32
      %add3A_106 = arith.addi %add3A_105, %mul3A_6 : i32
      %select_n3A_107 = arith.constant true
      %select_n3A_108 = arith.constant 0 : i32
      %select_n3A_109 = arith.constant 1 : i32
      %select_n3A_110 = arith.select %select_n3A_107, %select_n3A_109, %select_n3A_108 : i32
      %eq3A_111 = arith.constant 1 : i32
      %eq3A_112 = arith.cmpi eq, %select_n3A_110, %eq3A_111 : i32
      %select_n3A_113 = arith.constant 0 : i32
      %select_n3A_114 = arith.select %eq3A_112, %select_n3A_113, %select_n3A_110 : i32
      %add3A_115 = arith.constant 0 : i32
      %add3A_116 = arith.addi %add3A_115, %mul3A_6 : i32
      %select_n3A_117 = arith.constant true
      %select_n3A_118 = arith.constant 0 : i32
      %select_n3A_119 = arith.constant 1 : i32
      %select_n3A_120 = arith.select %select_n3A_117, %select_n3A_119, %select_n3A_118 : i32
      %eq3A_121 = arith.constant 1 : i32
      %eq3A_122 = arith.cmpi eq, %select_n3A_120, %eq3A_121 : i32
      %select_n3A_123 = arith.constant 0 : i32
      %select_n3A_124 = arith.select %eq3A_122, %select_n3A_123, %select_n3A_120 : i32
      %add3A_125 = arith.constant 0 : i32
      %add3A_126 = arith.addi %add3A_125, %mul3A_6 : i32
      %ne3A = arith.cmpi ne, %add3A_96, %add3A_116 : i32
      %or3A = arith.constant false
      %or3A_127 = arith.ori %or3A, %ne3A : i1
      %or3A_128 = arith.constant false
      %or3A_129 = arith.ori %or3A_127, %or3A_128 : i1
      %ge3A = arith.constant 0 : i32
      %ge3A_130 = arith.cmpi sge, %scan3A_90, %ge3A : i32
      %not3A = arith.constant true
      %not3A_131 = arith.xori %ge3A_130, %not3A : i1
      %and3A = arith.andi %or3A_129, %not3A_131 : i1
      %convert_element_type3A = arith.extui %and3A : i1 to i32
      %cond3A = arith.constant 0 : i32
      %cond3A_132 = arith.cmpi ne, %convert_element_type3A, %cond3A : i32
      scf.if %cond3A_132 {
        "tpu.trace_start"() <{level = 10 : i32, message = "ep_copy_in"}> : () -> ()
        %rem3A_294 = arith.constant 2 : i32
        %rem3A_295 = arith.remui %select_n3A_62, %rem3A_294 : i32
        %mul3A_296 = arith.constant 128 : i32
        %mul3A_297 = arith.muli %mul3A_296, %add3A_116 : i32
        %dma_start3A_298 = arith.constant 0 : i32
        %dma_start3A_299 = arith.constant 0 : i32
        %dma_start3A_300 = tpu.memref_slice %run_scoped3A[%rem3A_295, %dma_start3A_298, %dma_start3A_299] : memref<2x128x128xf32, #tpu.memory_space<vmem>> -> memref<1x128x128xf32, #tpu.memory_space<vmem>>
        %dma_start3A_301 = tpu.memref_squeeze %dma_start3A_300 : memref<1x128x128xf32, #tpu.memory_space<vmem>> -> memref<128x128xf32, #tpu.memory_space<vmem>>
        %dma_start3A_302 = arith.constant 0 : i32
        %dma_start3A_303 = tpu.memref_slice %arg2[%mul3A_297, %dma_start3A_302] : memref<4096x128xf32, #tpu.memory_space<hbm>> -> memref<128x128xf32, #tpu.memory_space<hbm>>
        %dma_start3A_304 = tpu.memref_slice %run_scoped3A_7[%rem3A_295] : memref<2x!tpu.dma_semaphore, #tpu.memory_space<semaphore_mem>> -> memref<1x!tpu.dma_semaphore, #tpu.memory_space<semaphore_mem>>
        %dma_start3A_305 = tpu.memref_squeeze %dma_start3A_304 : memref<1x!tpu.dma_semaphore, #tpu.memory_space<semaphore_mem>> -> memref<!tpu.dma_semaphore, #tpu.memory_space<semaphore_mem>>
        %dma_start3A_306 = arith.constant 0 : i32
        %dma_start3A_307 = arith.constant 0 : i32
        %dma_start3A_308 = tpu.memref_slice %run_scoped3A[%rem3A_295, %dma_start3A_306, %dma_start3A_307] : memref<2x128x128xf32, #tpu.memory_space<vmem>> -> memref<1x128x128xf32, #tpu.memory_space<vmem>>
        %dma_start3A_309 = tpu.memref_squeeze %dma_start3A_308 : memref<1x128x128xf32, #tpu.memory_space<vmem>> -> memref<128x128xf32, #tpu.memory_space<vmem>>
        %dma_start3A_310 = arith.constant 0 : i32
        %dma_start3A_311 = tpu.memref_slice %arg2[%mul3A_297, %dma_start3A_310] : memref<4096x128xf32, #tpu.memory_space<hbm>> -> memref<128x128xf32, #tpu.memory_space<hbm>>
        tpu.enqueue_dma source(%dma_start3A_311 : memref<128x128xf32, #tpu.memory_space<hbm>>) target(%dma_start3A_309 : memref<128x128xf32, #tpu.memory_space<vmem>>) target_semaphore(%dma_start3A_305 : memref<!tpu.dma_semaphore, #tpu.memory_space<semaphore_mem>>)
        "tpu.trace_stop"() : () -> ()
      } else {
      }
      %and3A_133 = arith.constant true
      %and3A_134 = arith.andi %and3A, %and3A_133 : i1
      %add3A_135 = arith.constant 1 : i32
      %add3A_136 = arith.addi %select_n3A_62, %add3A_135 : i32
      %select_n3A_137 = arith.select %and3A_134, %add3A_136, %select_n3A_62 : i32
      %ne3A_138 = arith.cmpi ne, %add3A_96, %add3A_116 : i32
      %or3A_139 = arith.constant false
      %or3A_140 = arith.ori %or3A_139, %ne3A_138 : i1
      %or3A_141 = arith.constant false
      %or3A_142 = arith.ori %or3A_140, %or3A_141 : i1
      %ge3A_143 = arith.constant 0 : i32
      %ge3A_144 = arith.cmpi sge, %scan3A_90, %ge3A_143 : i32
      %not3A_145 = arith.constant true
      %not3A_146 = arith.xori %ge3A_144, %not3A_145 : i1
      %and3A_147 = arith.andi %or3A_142, %not3A_146 : i1
      %convert_element_type3A_148 = arith.extui %and3A_147 : i1 to i32
      %cond3A_149 = arith.constant 0 : i32
      %cond3A_150 = arith.cmpi ne, %convert_element_type3A_148, %cond3A_149 : i32
      scf.if %cond3A_150 {
        "tpu.trace_start"() <{level = 10 : i32, message = "ep_copy_in"}> : () -> ()
        %rem3A_294 = arith.constant 2 : i32
        %rem3A_295 = arith.remui %select_n3A_87, %rem3A_294 : i32
        %mul3A_296 = arith.constant 1 : i32
        %mul3A_297 = arith.muli %mul3A_296, %add3A_116 : i32
        %dma_start3A_298 = arith.constant 0 : i32
        %dma_start3A_299 = arith.constant 0 : i32
        %dma_start3A_300 = tpu.memref_slice %run_scoped3A_8[%rem3A_295, %dma_start3A_298, %dma_start3A_299] : memref<2x1x128xi32, #tpu.memory_space<vmem>> -> memref<1x1x128xi32, #tpu.memory_space<vmem>>
        %dma_start3A_301 = tpu.memref_squeeze %dma_start3A_300 : memref<1x1x128xi32, #tpu.memory_space<vmem>> -> memref<1x128xi32, #tpu.memory_space<vmem>>
        %dma_start3A_302 = arith.constant 0 : i32
        %dma_start3A_303 = tpu.memref_slice %arg3[%mul3A_297, %dma_start3A_302] : memref<32x128xi32, #tpu.memory_space<hbm>> -> memref<1x128xi32, #tpu.memory_space<hbm>>
        %dma_start3A_304 = tpu.memref_slice %run_scoped3A_9[%rem3A_295] : memref<2x!tpu.dma_semaphore, #tpu.memory_space<semaphore_mem>> -> memref<1x!tpu.dma_semaphore, #tpu.memory_space<semaphore_mem>>
        %dma_start3A_305 = tpu.memref_squeeze %dma_start3A_304 : memref<1x!tpu.dma_semaphore, #tpu.memory_space<semaphore_mem>> -> memref<!tpu.dma_semaphore, #tpu.memory_space<semaphore_mem>>
        %dma_start3A_306 = arith.constant 0 : i32
        %dma_start3A_307 = arith.constant 0 : i32
        %dma_start3A_308 = tpu.memref_slice %run_scoped3A_8[%rem3A_295, %dma_start3A_306, %dma_start3A_307] : memref<2x1x128xi32, #tpu.memory_space<vmem>> -> memref<1x1x128xi32, #tpu.memory_space<vmem>>
        %dma_start3A_309 = tpu.memref_squeeze %dma_start3A_308 : memref<1x1x128xi32, #tpu.memory_space<vmem>> -> memref<1x128xi32, #tpu.memory_space<vmem>>
        %dma_start3A_310 = arith.constant 0 : i32
        %dma_start3A_311 = tpu.memref_slice %arg3[%mul3A_297, %dma_start3A_310] : memref<32x128xi32, #tpu.memory_space<hbm>> -> memref<1x128xi32, #tpu.memory_space<hbm>>
        tpu.enqueue_dma source(%dma_start3A_311 : memref<1x128xi32, #tpu.memory_space<hbm>>) target(%dma_start3A_309 : memref<1x128xi32, #tpu.memory_space<vmem>>) target_semaphore(%dma_start3A_305 : memref<!tpu.dma_semaphore, #tpu.memory_space<semaphore_mem>>)
        "tpu.trace_stop"() : () -> ()
      } else {
      }
      %and3A_151 = arith.constant true
      %and3A_152 = arith.andi %and3A_147, %and3A_151 : i1
      %add3A_153 = arith.constant 1 : i32
      %add3A_154 = arith.addi %select_n3A_87, %add3A_153 : i32
      %select_n3A_155 = arith.select %and3A_152, %add3A_154, %select_n3A_87 : i32
      %ne3A_156 = arith.cmpi ne, %add3A_96, %add3A_106 : i32
      %or3A_157 = arith.constant false
      %or3A_158 = arith.ori %or3A_157, %ne3A_156 : i1
      %or3A_159 = arith.constant false
      %or3A_160 = arith.ori %or3A_158, %or3A_159 : i1
      %or3A_161 = arith.ori %or3A_160, %eq3A_92 : i1
      %convert_element_type3A_162 = arith.extui %or3A_161 : i1 to i32
      %cond3A_163 = arith.constant 0 : i32
      %cond3A_164 = arith.cmpi ne, %convert_element_type3A_162, %cond3A_163 : i32
      scf.if %cond3A_164 {
        "tpu.trace_start"() <{level = 10 : i32, message = "ep_wait_in"}> : () -> ()
        %mul3A_294 = arith.constant 128 : i32
        %mul3A_295 = arith.muli %mul3A_294, %add3A_96 : i32
        %rem3A_296 = arith.constant 2 : i32
        %rem3A_297 = arith.remui %scan3A, %rem3A_296 : i32
        %dma_wait3A = arith.constant 0 : i32
        %dma_wait3A_298 = arith.constant 0 : i32
        %dma_wait3A_299 = tpu.memref_slice %run_scoped3A[%rem3A_297, %dma_wait3A, %dma_wait3A_298] : memref<2x128x128xf32, #tpu.memory_space<vmem>> -> memref<1x128x128xf32, #tpu.memory_space<vmem>>
        %dma_wait3A_300 = tpu.memref_squeeze %dma_wait3A_299 : memref<1x128x128xf32, #tpu.memory_space<vmem>> -> memref<128x128xf32, #tpu.memory_space<vmem>>
        %dma_wait3A_301 = arith.constant 0 : i32
        %dma_wait3A_302 = tpu.memref_slice %arg2[%mul3A_295, %dma_wait3A_301] : memref<4096x128xf32, #tpu.memory_space<hbm>> -> memref<128x128xf32, #tpu.memory_space<hbm>>
        %dma_wait3A_303 = tpu.memref_slice %run_scoped3A_7[%rem3A_297] : memref<2x!tpu.dma_semaphore, #tpu.memory_space<semaphore_mem>> -> memref<1x!tpu.dma_semaphore, #tpu.memory_space<semaphore_mem>>
        %dma_wait3A_304 = tpu.memref_squeeze %dma_wait3A_303 : memref<1x!tpu.dma_semaphore, #tpu.memory_space<semaphore_mem>> -> memref<!tpu.dma_semaphore, #tpu.memory_space<semaphore_mem>>
        %dma_wait3A_305 = arith.constant 0 : i32
        %dma_wait3A_306 = arith.constant 0 : i32
        %dma_wait3A_307 = tpu.memref_slice %run_scoped3A[%rem3A_297, %dma_wait3A_305, %dma_wait3A_306] : memref<2x128x128xf32, #tpu.memory_space<vmem>> -> memref<1x128x128xf32, #tpu.memory_space<vmem>>
        %dma_wait3A_308 = tpu.memref_squeeze %dma_wait3A_307 : memref<1x128x128xf32, #tpu.memory_space<vmem>> -> memref<128x128xf32, #tpu.memory_space<vmem>>
        %dma_wait3A_309 = arith.constant 0 : i32
        %dma_wait3A_310 = tpu.memref_slice %arg2[%mul3A_295, %dma_wait3A_309] : memref<4096x128xf32, #tpu.memory_space<hbm>> -> memref<128x128xf32, #tpu.memory_space<hbm>>
        tpu.wait_dma2 semaphore(%dma_wait3A_304 : memref<!tpu.dma_semaphore, #tpu.memory_space<semaphore_mem>>) src(%dma_wait3A_310 : memref<128x128xf32, #tpu.memory_space<hbm>>) dst(%dma_wait3A_308 : memref<128x128xf32, #tpu.memory_space<vmem>>)
        "tpu.trace_stop"() : () -> ()
      } else {
      }
      %ne3A_165 = arith.cmpi ne, %add3A_96, %add3A_106 : i32
      %or3A_166 = arith.constant false
      %or3A_167 = arith.ori %or3A_166, %ne3A_165 : i1
      %or3A_168 = arith.constant false
      %or3A_169 = arith.ori %or3A_167, %or3A_168 : i1
      %or3A_170 = arith.ori %or3A_169, %eq3A_92 : i1
      %convert_element_type3A_171 = arith.extui %or3A_170 : i1 to i32
      %cond3A_172 = arith.constant 0 : i32
      %cond3A_173 = arith.cmpi ne, %convert_element_type3A_171, %cond3A_172 : i32
      scf.if %cond3A_173 {
        "tpu.trace_start"() <{level = 10 : i32, message = "ep_wait_in"}> : () -> ()
        %mul3A_294 = arith.constant 1 : i32
        %mul3A_295 = arith.muli %mul3A_294, %add3A_96 : i32
        %rem3A_296 = arith.constant 2 : i32
        %rem3A_297 = arith.remui %scan3A_88, %rem3A_296 : i32
        %dma_wait3A = arith.constant 0 : i32
        %dma_wait3A_298 = arith.constant 0 : i32
        %dma_wait3A_299 = tpu.memref_slice %run_scoped3A_8[%rem3A_297, %dma_wait3A, %dma_wait3A_298] : memref<2x1x128xi32, #tpu.memory_space<vmem>> -> memref<1x1x128xi32, #tpu.memory_space<vmem>>
        %dma_wait3A_300 = tpu.memref_squeeze %dma_wait3A_299 : memref<1x1x128xi32, #tpu.memory_space<vmem>> -> memref<1x128xi32, #tpu.memory_space<vmem>>
        %dma_wait3A_301 = arith.constant 0 : i32
        %dma_wait3A_302 = tpu.memref_slice %arg3[%mul3A_295, %dma_wait3A_301] : memref<32x128xi32, #tpu.memory_space<hbm>> -> memref<1x128xi32, #tpu.memory_space<hbm>>
        %dma_wait3A_303 = tpu.memref_slice %run_scoped3A_9[%rem3A_297] : memref<2x!tpu.dma_semaphore, #tpu.memory_space<semaphore_mem>> -> memref<1x!tpu.dma_semaphore, #tpu.memory_space<semaphore_mem>>
        %dma_wait3A_304 = tpu.memref_squeeze %dma_wait3A_303 : memref<1x!tpu.dma_semaphore, #tpu.memory_space<semaphore_mem>> -> memref<!tpu.dma_semaphore, #tpu.memory_space<semaphore_mem>>
        %dma_wait3A_305 = arith.constant 0 : i32
        %dma_wait3A_306 = arith.constant 0 : i32
        %dma_wait3A_307 = tpu.memref_slice %run_scoped3A_8[%rem3A_297, %dma_wait3A_305, %dma_wait3A_306] : memref<2x1x128xi32, #tpu.memory_space<vmem>> -> memref<1x1x128xi32, #tpu.memory_space<vmem>>
        %dma_wait3A_308 = tpu.memref_squeeze %dma_wait3A_307 : memref<1x1x128xi32, #tpu.memory_space<vmem>> -> memref<1x128xi32, #tpu.memory_space<vmem>>
        %dma_wait3A_309 = arith.constant 0 : i32
        %dma_wait3A_310 = tpu.memref_slice %arg3[%mul3A_295, %dma_wait3A_309] : memref<32x128xi32, #tpu.memory_space<hbm>> -> memref<1x128xi32, #tpu.memory_space<hbm>>
        tpu.wait_dma2 semaphore(%dma_wait3A_304 : memref<!tpu.dma_semaphore, #tpu.memory_space<semaphore_mem>>) src(%dma_wait3A_310 : memref<1x128xi32, #tpu.memory_space<hbm>>) dst(%dma_wait3A_308 : memref<1x128xi32, #tpu.memory_space<vmem>>)
        "tpu.trace_stop"() : () -> ()
      } else {
      }
      %rem3A_174 = arith.constant 2 : i32
      %rem3A_175 = arith.remui %scan3A, %rem3A_174 : i32
      %rem3A_176 = arith.constant 2 : i32
      %rem3A_177 = arith.remui %scan3A_88, %rem3A_176 : i32
      %run_scoped3A_178 = arith.constant 0 : i32
      "tpu.trace_start"() <{level = 10 : i32, message = "ep_run_kernel"}> : () -> ()
      "tpu.region"() ({
        %run_scoped3A_294 = tpu.sem_alloc : memref<!tpu.dma_semaphore, #tpu.memory_space<semaphore_mem>>
        %dma_start3A_295 = arith.constant 0 : i32
        %dma_start3A_296 = arith.constant 0 : i32
        %dma_start3A_297 = tpu.memref_slice %run_scoped3A[%rem3A_175, %dma_start3A_295, %dma_start3A_296] : memref<2x128x128xf32, #tpu.memory_space<vmem>> -> memref<1x128x128xf32, #tpu.memory_space<vmem>>
        %dma_start3A_298 = tpu.memref_squeeze %dma_start3A_297 : memref<1x128x128xf32, #tpu.memory_space<vmem>> -> memref<128x128xf32, #tpu.memory_space<vmem>>
        %dma_start3A_299 = arith.constant 0 : i32
        %dma_start3A_300 = arith.constant 0 : i32
        %dma_start3A_301 = tpu.memref_slice %run_scoped3A_8[%rem3A_177, %dma_start3A_299, %dma_start3A_300] : memref<2x1x128xi32, #tpu.memory_space<vmem>> -> memref<1x1x128xi32, #tpu.memory_space<vmem>>
        %dma_start3A_302 = tpu.memref_squeeze %dma_start3A_301 : memref<1x1x128xi32, #tpu.memory_space<vmem>> -> memref<1x128xi32, #tpu.memory_space<vmem>>
        %dma_start3A_303 = arith.constant 0 : i32
        %dma_start3A_304 = tpu.memref_slice %dma_start3A_302[%run_scoped3A_178, %dma_start3A_303] : memref<1x128xi32, #tpu.memory_space<vmem>> -> memref<1x128xi32, #tpu.memory_space<vmem>>
        %dma_start3A_305 = tpu.memref_squeeze %dma_start3A_304 : memref<1x128xi32, #tpu.memory_space<vmem>> -> memref<128xi32, #tpu.memory_space<vmem>>
        %dma_start3A_306 = arith.constant 0 : i32
        %dma_start3A_307 = arith.constant 0 : i32
        %dma_start3A_308 = tpu.memref_slice %arg4[%dma_start3A_306, %dma_start3A_307] : memref<8192x128xf32, #tpu.memory_space<hbm>> -> memref<8192x128xf32, #tpu.memory_space<hbm>>
        tpu.enqueue_indirect_dma source(%dma_start3A_298 : memref<128x128xf32, #tpu.memory_space<vmem>>) target(%dma_start3A_308 : memref<8192x128xf32, #tpu.memory_space<hbm>>) offsets(%dma_start3A_305 : memref<128xi32, #tpu.memory_space<vmem>>) semaphore(%run_scoped3A_294 : memref<!tpu.dma_semaphore, #tpu.memory_space<semaphore_mem>>)
        %dma_wait3A = arith.constant 0 : i32
        %dma_wait3A_309 = arith.constant 0 : i32
        %dma_wait3A_310 = tpu.memref_slice %run_scoped3A[%rem3A_175, %dma_wait3A, %dma_wait3A_309] : memref<2x128x128xf32, #tpu.memory_space<vmem>> -> memref<1x128x128xf32, #tpu.memory_space<vmem>>
        %dma_wait3A_311 = tpu.memref_squeeze %dma_wait3A_310 : memref<1x128x128xf32, #tpu.memory_space<vmem>> -> memref<128x128xf32, #tpu.memory_space<vmem>>
        %dma_wait3A_312 = arith.constant 0 : i32
        %dma_wait3A_313 = arith.constant 0 : i32
        %dma_wait3A_314 = tpu.memref_slice %run_scoped3A_8[%rem3A_177, %dma_wait3A_312, %dma_wait3A_313] : memref<2x1x128xi32, #tpu.memory_space<vmem>> -> memref<1x1x128xi32, #tpu.memory_space<vmem>>
        %dma_wait3A_315 = tpu.memref_squeeze %dma_wait3A_314 : memref<1x1x128xi32, #tpu.memory_space<vmem>> -> memref<1x128xi32, #tpu.memory_space<vmem>>
        %dma_wait3A_316 = arith.constant 0 : i32
        %dma_wait3A_317 = tpu.memref_slice %dma_wait3A_315[%run_scoped3A_178, %dma_wait3A_316] : memref<1x128xi32, #tpu.memory_space<vmem>> -> memref<1x128xi32, #tpu.memory_space<vmem>>
        %dma_wait3A_318 = tpu.memref_squeeze %dma_wait3A_317 : memref<1x128xi32, #tpu.memory_space<vmem>> -> memref<128xi32, #tpu.memory_space<vmem>>
        %dma_wait3A_319 = arith.constant 0 : i32
        %dma_wait3A_320 = arith.constant 0 : i32
        %dma_wait3A_321 = tpu.memref_slice %arg4[%dma_wait3A_319, %dma_wait3A_320] : memref<8192x128xf32, #tpu.memory_space<hbm>> -> memref<8192x128xf32, #tpu.memory_space<hbm>>
        tpu.wait_indirect_dma semaphore(%run_scoped3A_294 : memref<!tpu.dma_semaphore, #tpu.memory_space<semaphore_mem>>) src(%dma_wait3A_311 : memref<128x128xf32, #tpu.memory_space<vmem>>) dst(%dma_wait3A_321 : memref<8192x128xf32, #tpu.memory_space<hbm>>)
        tpu.yield
      }) : () -> ()
      "tpu.trace_stop"() : () -> ()
      %ne3A_179 = arith.cmpi ne, %add3A_96, %add3A_116 : i32
      %or3A_180 = arith.constant false
      %or3A_181 = arith.ori %or3A_180, %ne3A_179 : i1
      %or3A_182 = arith.constant false
      %or3A_183 = arith.ori %or3A_181, %or3A_182 : i1
      %or3A_184 = arith.ori %or3A_183, %eq3A_94 : i1
      %convert_element_type3A_185 = arith.extui %or3A_184 : i1 to i32
      %cond3A_186 = arith.constant 0 : i32
      %cond3A_187 = arith.cmpi ne, %convert_element_type3A_185, %cond3A_186 : i32
      scf.if %cond3A_187 {
      } else {
      }
      %and3A_188 = arith.constant false
      %and3A_189 = arith.andi %or3A_184, %and3A_188 : i1
      %ne3A_190 = arith.cmpi ne, %add3A_96, %add3A_116 : i32
      %or3A_191 = arith.constant false
      %or3A_192 = arith.ori %or3A_191, %ne3A_190 : i1
      %or3A_193 = arith.constant false
      %or3A_194 = arith.ori %or3A_192, %or3A_193 : i1
      %or3A_195 = arith.ori %or3A_194, %eq3A_94 : i1
      %convert_element_type3A_196 = arith.extui %or3A_195 : i1 to i32
      %cond3A_197 = arith.constant 0 : i32
      %cond3A_198 = arith.cmpi ne, %convert_element_type3A_196, %cond3A_197 : i32
      scf.if %cond3A_198 {
      } else {
      }
      %and3A_199 = arith.constant false
      %and3A_200 = arith.andi %or3A_195, %and3A_199 : i1
      %ne3A_201 = arith.cmpi ne, %add3A_96, %add3A_106 : i32
      %or3A_202 = arith.constant false
      %or3A_203 = arith.ori %or3A_202, %ne3A_201 : i1
      %or3A_204 = arith.constant false
      %or3A_205 = arith.ori %or3A_203, %or3A_204 : i1
      %not3A_206 = arith.constant true
      %not3A_207 = arith.xori %eq3A_92, %not3A_206 : i1
      %and3A_208 = arith.andi %or3A_205, %not3A_207 : i1
      %convert_element_type3A_209 = arith.extui %and3A_208 : i1 to i32
      %cond3A_210 = arith.constant 0 : i32
      %cond3A_211 = arith.cmpi ne, %convert_element_type3A_209, %cond3A_210 : i32
      scf.if %cond3A_211 {
      } else {
      }
      %and3A_212 = arith.constant false
      %and3A_213 = arith.andi %and3A_208, %and3A_212 : i1
      %ne3A_214 = arith.cmpi ne, %add3A_96, %add3A_106 : i32
      %or3A_215 = arith.constant false
      %or3A_216 = arith.ori %or3A_215, %ne3A_214 : i1
      %or3A_217 = arith.constant false
      %or3A_218 = arith.ori %or3A_216, %or3A_217 : i1
      %not3A_219 = arith.constant true
      %not3A_220 = arith.xori %eq3A_92, %not3A_219 : i1
      %and3A_221 = arith.andi %or3A_218, %not3A_220 : i1
      %convert_element_type3A_222 = arith.extui %and3A_221 : i1 to i32
      %cond3A_223 = arith.constant 0 : i32
      %cond3A_224 = arith.cmpi ne, %convert_element_type3A_222, %cond3A_223 : i32
      scf.if %cond3A_224 {
      } else {
      }
      %and3A_225 = arith.constant false
      %and3A_226 = arith.andi %and3A_221, %and3A_225 : i1
      %ne3A_227 = arith.cmpi ne, %add3A_96, %add3A_116 : i32
      %or3A_228 = arith.constant false
      %or3A_229 = arith.ori %or3A_228, %ne3A_227 : i1
      %or3A_230 = arith.constant false
      %or3A_231 = arith.ori %or3A_229, %or3A_230 : i1
      %or3A_232 = arith.ori %or3A_231, %eq3A_94 : i1
      %add3A_233 = arith.constant 1 : i32
      %add3A_234 = arith.addi %scan3A, %add3A_233 : i32
      %select_n3A_235 = arith.select %or3A_232, %add3A_234, %scan3A : i32
      %ne3A_236 = arith.cmpi ne, %add3A_96, %add3A_116 : i32
      %or3A_237 = arith.constant false
      %or3A_238 = arith.ori %or3A_237, %ne3A_236 : i1
      %or3A_239 = arith.constant false
      %or3A_240 = arith.ori %or3A_238, %or3A_239 : i1
      %or3A_241 = arith.ori %or3A_240, %eq3A_94 : i1
      %add3A_242 = arith.constant 1 : i32
      %add3A_243 = arith.addi %scan3A_88, %add3A_242 : i32
      %select_n3A_244 = arith.select %or3A_241, %add3A_243, %scan3A_88 : i32
      %select_n3A_245 = arith.constant true
      %select_n3A_246 = arith.constant 0 : i32
      %select_n3A_247 = arith.constant 1 : i32
      %select_n3A_248 = arith.select %select_n3A_245, %select_n3A_247, %select_n3A_246 : i32
      %eq3A_249 = arith.constant 1 : i32
      %eq3A_250 = arith.cmpi eq, %select_n3A_248, %eq3A_249 : i32
      %select_n3A_251 = arith.constant 0 : i32
      %select_n3A_252 = arith.select %eq3A_250, %select_n3A_251, %select_n3A_248 : i32
      %scan3A_253 = arith.constant 0 : i32
      %scan3A_254 = arith.constant 1 : i32
      %sub3A = arith.constant 1 : i32
      %sub3A_255 = arith.subi %scan3A_253, %sub3A : i32
      %select_n3A_256 = arith.constant true
      %select_n3A_257 = arith.select %select_n3A_256, %sub3A_255, %scan3A_253 : i32
      %eq3A_258 = arith.constant -1 : i32
      %eq3A_259 = arith.cmpi eq, %select_n3A_257, %eq3A_258 : i32
      %select_n3A_260 = arith.constant 0 : i32
      %select_n3A_261 = arith.select %eq3A_259, %select_n3A_260, %select_n3A_257 : i32
      %add3A_262 = arith.constant 0 : i32
      %add3A_263 = arith.addi %add3A_262, %mul3A_6 : i32
      %select_n3A_264 = arith.constant true
      %select_n3A_265 = arith.constant 0 : i32
      %select_n3A_266 = arith.constant -1 : i32
      %select_n3A_267 = arith.select %select_n3A_264, %select_n3A_266, %select_n3A_265 : i32
      %eq3A_268 = arith.constant -1 : i32
      %eq3A_269 = arith.cmpi eq, %select_n3A_267, %eq3A_268 : i32
      %select_n3A_270 = arith.constant 0 : i32
      %select_n3A_271 = arith.select %eq3A_269, %select_n3A_270, %select_n3A_267 : i32
      %add3A_272 = arith.constant 0 : i32
      %add3A_273 = arith.addi %add3A_272, %mul3A_6 : i32
      %select_n3A_274 = arith.constant true
      %select_n3A_275 = arith.constant 0 : i32
      %select_n3A_276 = arith.constant 1 : i32
      %select_n3A_277 = arith.select %select_n3A_274, %select_n3A_276, %select_n3A_275 : i32
      %eq3A_278 = arith.constant 1 : i32
      %eq3A_279 = arith.cmpi eq, %select_n3A_277, %eq3A_278 : i32
      %select_n3A_280 = arith.constant 0 : i32
      %select_n3A_281 = arith.select %eq3A_279, %select_n3A_280, %select_n3A_277 : i32
      %add3A_282 = arith.constant 0 : i32
      %add3A_283 = arith.addi %add3A_282, %mul3A_6 : i32
      %select_n3A_284 = arith.constant true
      %select_n3A_285 = arith.constant 0 : i32
      %select_n3A_286 = arith.constant 1 : i32
      %select_n3A_287 = arith.select %select_n3A_284, %select_n3A_286, %select_n3A_285 : i32
      %eq3A_288 = arith.constant 1 : i32
      %eq3A_289 = arith.cmpi eq, %select_n3A_287, %eq3A_288 : i32
      %select_n3A_290 = arith.constant 0 : i32
      %select_n3A_291 = arith.select %eq3A_289, %select_n3A_290, %select_n3A_287 : i32
      %add3A_292 = arith.constant 0 : i32
      %add3A_293 = arith.addi %add3A_292, %mul3A_6 : i32
      tpu.yield
    }) : () -> ()
    return
  }
}

module attributes {stable_mosaic.version = 14 : i64} {
  func.func @_select_kernel(%arg0: memref<32x128xf32, #tpu.memory_space<vmem>>, %arg1: memref<32x128xi32, #tpu.memory_space<vmem>>, %arg2: memref<32x128xf32, #tpu.memory_space<vmem>>, %arg3: memref<1x1xf32, #tpu.memory_space<vmem>>) attributes {dimension_semantics = [], scalar_prefetch = 0 : i64, scratch_operands = 0 : i64, tpu.core_type = #tpu.core_type<tc>} {
    %get3A = arith.constant 0 : index
    %get3A_0 = arith.constant 0 : index
    %get3A_1 = vector.load %arg0[%get3A, %get3A_0] : memref<32x128xf32, #tpu.memory_space<vmem>>, vector<32x128xf32>
    %bitcast_convert_type3A = tpu.bitcast %get3A_1 : vector<32x128xf32> -> vector<32x128xi32>
    %scan3A = arith.constant 0 : i32
    %scan3A_2 = arith.constant 1065353216 : i32
    %scan3A_3 = arith.constant 0 : i32
    %scan3A_4 = arith.constant 31 : i32
    %scan3A_5 = arith.addi %scan3A_3, %scan3A_4 : i32
    %scan3A_6 = arith.constant 1 : i32
    %scan3A_7:2 = scf.for %scan3A_87 = %scan3A_3 to %scan3A_5 step %scan3A_6 iter_args(%scan3A_88 = %scan3A, %scan3A_89 = %scan3A_2) -> (i32, i32)  : i32 {
      %sub3A_90 = arith.subi %scan3A_89, %scan3A_88 : i32
      %add3A_91 = arith.constant 1 : i32
      %add3A_92 = arith.addi %sub3A_90, %add3A_91 : i32
      %jit3A_93 = arith.constant 2 : i32
      %div3A = arith.divsi %add3A_92, %jit3A_93 : i32
      %sign3A = arith.constant 0 : i32
      %sign3A_94 = arith.cmpi sgt, %add3A_92, %sign3A : i32
      %sign3A_95 = arith.extui %sign3A_94 : i1 to i32
      %sign3A_96 = arith.constant 0 : i32
      %sign3A_97 = arith.cmpi slt, %add3A_92, %sign3A_96 : i32
      %sign3A_98 = arith.extui %sign3A_97 : i1 to i32
      %sign3A_99 = arith.subi %sign3A_95, %sign3A_98 : i32
      %sign3A_100 = arith.constant 0 : i32
      %sign3A_101 = arith.cmpi sgt, %jit3A_93, %sign3A_100 : i32
      %sign3A_102 = arith.extui %sign3A_101 : i1 to i32
      %sign3A_103 = arith.constant 0 : i32
      %sign3A_104 = arith.cmpi slt, %jit3A_93, %sign3A_103 : i32
      %sign3A_105 = arith.extui %sign3A_104 : i1 to i32
      %sign3A_106 = arith.subi %sign3A_102, %sign3A_105 : i32
      %ne3A = arith.cmpi ne, %sign3A_99, %sign3A_106 : i32
      %rem3A = arith.remsi %add3A_92, %jit3A_93 : i32
      %ne3A_107 = arith.constant 0 : i32
      %ne3A_108 = arith.cmpi ne, %rem3A, %ne3A_107 : i32
      %and3A_109 = arith.andi %ne3A, %ne3A_108 : i1
      %sub3A_110 = arith.constant 1 : i32
      %sub3A_111 = arith.subi %div3A, %sub3A_110 : i32
      %select_n3A_112 = arith.select %and3A_109, %sub3A_111, %div3A : i32
      %add3A_113 = arith.addi %scan3A_88, %select_n3A_112 : i32
      %ge3A = vector.broadcast %add3A_113 : i32 to vector<32x128xi32>
      %ge3A_114 = arith.cmpi sge, %bitcast_convert_type3A, %ge3A : vector<32x128xi32>
      %convert_element_type3A_115 = arith.extui %ge3A_114 : vector<32x128xi1> to vector<32x128xi32>
      %reduce_sum3A_116 = vector.shape_cast %convert_element_type3A_115 : vector<32x128xi32> to vector<1x32x128xi32>
      %reduce_sum3A_117 = arith.constant dense<0> : vector<1xi32>
      %reduce_sum3A_118 = vector.multi_reduction <add>, %reduce_sum3A_116, %reduce_sum3A_117 [1, 2] : vector<1x32x128xi32> to vector<1xi32>
      %reduce_sum3A_119 = vector.shape_cast %reduce_sum3A_118 : vector<1xi32> to vector<1x1x1xi32>
      %reduce_sum3A_120 = vector.extract %reduce_sum3A_119[0, 0, 0] : i32 from vector<1x1x1xi32>
      %ge3A_121 = arith.constant 1638 : i32
      %ge3A_122 = arith.cmpi sge, %reduce_sum3A_120, %ge3A_121 : i32
      %select_n3A_123 = arith.select %ge3A_122, %add3A_113, %scan3A_88 : i32
      %sub3A_124 = arith.constant 1 : i32
      %sub3A_125 = arith.subi %add3A_113, %sub3A_124 : i32
      %select_n3A_126 = arith.select %ge3A_122, %scan3A_89, %sub3A_125 : i32
      scf.yield %select_n3A_123, %select_n3A_126 : i32, i32
    }
    %gt3A = vector.broadcast %scan3A_7#0 : i32 to vector<32x128xi32>
    %gt3A_8 = arith.cmpi sgt, %bitcast_convert_type3A, %gt3A : vector<32x128xi32>
    %eq3A = vector.broadcast %scan3A_7#0 : i32 to vector<32x128xi32>
    %eq3A_9 = arith.cmpi eq, %bitcast_convert_type3A, %eq3A : vector<32x128xi32>
    %convert_element_type3A = arith.extui %gt3A_8 : vector<32x128xi1> to vector<32x128xi32>
    %convert_element_type3A_10 = arith.sitofp %convert_element_type3A : vector<32x128xi32> to vector<32x128xf32>
    %reduce_sum3A = vector.shape_cast %convert_element_type3A_10 : vector<32x128xf32> to vector<1x32x128xf32>
    %reduce_sum3A_11 = arith.constant dense<0.000000e+00> : vector<1xf32>
    %reduce_sum3A_12 = vector.multi_reduction <add>, %reduce_sum3A, %reduce_sum3A_11 [1, 2] : vector<1x32x128xf32> to vector<1xf32>
    %reduce_sum3A_13 = vector.shape_cast %reduce_sum3A_12 : vector<1xf32> to vector<1x1x1xf32>
    %reduce_sum3A_14 = vector.extract %reduce_sum3A_13[0, 0, 0] : f32 from vector<1x1x1xf32>
    %sub3A = arith.constant 1.638000e+03 : f32
    %sub3A_15 = arith.subf %sub3A, %reduce_sum3A_14 : f32
    %convert_element_type3A_16 = arith.extui %eq3A_9 : vector<32x128xi1> to vector<32x128xi32>
    %convert_element_type3A_17 = arith.sitofp %convert_element_type3A_16 : vector<32x128xi32> to vector<32x128xf32>
    %iota3A = tpu.iota {dimensions = array<i32: 0>} : vector<128x128xi32>
    %iota3A_18 = tpu.iota {dimensions = array<i32: 1>} : vector<128x128xi32>
    %le3A = arith.cmpi sle, %iota3A, %iota3A_18 : vector<128x128xi32>
    %convert_element_type3A_19 = arith.extui %le3A : vector<128x128xi1> to vector<128x128xi32>
    %convert_element_type3A_20 = arith.sitofp %convert_element_type3A_19 : vector<128x128xi32> to vector<128x128xf32>
    %dot_general3A = arith.constant dense<0.000000e+00> : vector<32x128xf32>
    %dot_general3A_21 = tpu.matmul %convert_element_type3A_17, %convert_element_type3A_20, %dot_general3A {dimension_numbers = #tpu.dot_dimension_numbers<[1], [0], [0], [1], [0, 0, 1, 1], [], []>, transpose_lhs_hint = false} : vector<32x128xf32>, vector<128x128xf32>, vector<32x128xf32> -> vector<32x128xf32>
    %slice3A = vector.extract_strided_slice %dot_general3A_21 {offsets = [0, 127], sizes = [32, 1], strides = [1, 1]} : vector<32x128xf32> to vector<32x1xf32>
    %iota3A_22 = tpu.iota {dimensions = array<i32: 0>} : vector<32x32xi32>
    %iota3A_23 = tpu.iota {dimensions = array<i32: 1>} : vector<32x32xi32>
    %lt3A = arith.cmpi slt, %iota3A_23, %iota3A_22 : vector<32x32xi32>
    %convert_element_type3A_24 = arith.extui %lt3A : vector<32x32xi1> to vector<32x32xi32>
    %convert_element_type3A_25 = arith.sitofp %convert_element_type3A_24 : vector<32x32xi32> to vector<32x32xf32>
    %dot_general3A_26 = arith.constant dense<0.000000e+00> : vector<32x1xf32>
    %dot_general3A_27 = tpu.matmul %convert_element_type3A_25, %slice3A, %dot_general3A_26 {dimension_numbers = #tpu.dot_dimension_numbers<[1], [0], [0], [1], [0, 0, 1, 1], [], []>, transpose_lhs_hint = false} : vector<32x32xf32>, vector<32x1xf32>, vector<32x1xf32> -> vector<32x1xf32>
    %add3A = vector.broadcast %dot_general3A_27 : vector<32x1xf32> to vector<32x128xf32>
    %add3A_28 = arith.addf %dot_general3A_21, %add3A : vector<32x128xf32>
    %le3A_29 = vector.broadcast %sub3A_15 : f32 to vector<32x128xf32>
    %le3A_30 = arith.cmpf ole, %add3A_28, %le3A_29 : vector<32x128xf32>
    %and3A = arith.andi %eq3A_9, %le3A_30 : vector<32x128xi1>
    %or3A = arith.ori %gt3A_8, %and3A : vector<32x128xi1>
    %convert_element_type3A_31 = arith.extui %or3A : vector<32x128xi1> to vector<32x128xi32>
    %convert_element_type3A_32 = arith.sitofp %convert_element_type3A_31 : vector<32x128xi32> to vector<32x128xf32>
    %iota3A_33 = tpu.iota {dimensions = array<i32: 0>} : vector<128x128xi32>
    %iota3A_34 = tpu.iota {dimensions = array<i32: 1>} : vector<128x128xi32>
    %le3A_35 = arith.cmpi sle, %iota3A_33, %iota3A_34 : vector<128x128xi32>
    %convert_element_type3A_36 = arith.extui %le3A_35 : vector<128x128xi1> to vector<128x128xi32>
    %convert_element_type3A_37 = arith.sitofp %convert_element_type3A_36 : vector<128x128xi32> to vector<128x128xf32>
    %dot_general3A_38 = arith.constant dense<0.000000e+00> : vector<32x128xf32>
    %dot_general3A_39 = tpu.matmul %convert_element_type3A_32, %convert_element_type3A_37, %dot_general3A_38 {dimension_numbers = #tpu.dot_dimension_numbers<[1], [0], [0], [1], [0, 0, 1, 1], [], []>, transpose_lhs_hint = false} : vector<32x128xf32>, vector<128x128xf32>, vector<32x128xf32> -> vector<32x128xf32>
    %slice3A_40 = vector.extract_strided_slice %dot_general3A_39 {offsets = [0, 127], sizes = [32, 1], strides = [1, 1]} : vector<32x128xf32> to vector<32x1xf32>
    %iota3A_41 = tpu.iota {dimensions = array<i32: 0>} : vector<32x32xi32>
    %iota3A_42 = tpu.iota {dimensions = array<i32: 1>} : vector<32x32xi32>
    %lt3A_43 = arith.cmpi slt, %iota3A_42, %iota3A_41 : vector<32x32xi32>
    %convert_element_type3A_44 = arith.extui %lt3A_43 : vector<32x32xi1> to vector<32x32xi32>
    %convert_element_type3A_45 = arith.sitofp %convert_element_type3A_44 : vector<32x32xi32> to vector<32x32xf32>
    %dot_general3A_46 = arith.constant dense<0.000000e+00> : vector<32x1xf32>
    %dot_general3A_47 = tpu.matmul %convert_element_type3A_45, %slice3A_40, %dot_general3A_46 {dimension_numbers = #tpu.dot_dimension_numbers<[1], [0], [0], [1], [0, 0, 1, 1], [], []>, transpose_lhs_hint = false} : vector<32x32xf32>, vector<32x1xf32>, vector<32x1xf32> -> vector<32x1xf32>
    %add3A_48 = vector.broadcast %dot_general3A_47 : vector<32x1xf32> to vector<32x128xf32>
    %add3A_49 = arith.addf %dot_general3A_39, %add3A_48 : vector<32x128xf32>
    %iota3A_50 = tpu.iota {dimensions = array<i32: 0>} : vector<32x128xi32>
    %mul3A = arith.constant 128 : i32
    %mul3A_51 = vector.broadcast %mul3A : i32 to vector<32x128xi32>
    %mul3A_52 = arith.muli %iota3A_50, %mul3A_51 : vector<32x128xi32>
    %iota3A_53 = tpu.iota {dimensions = array<i32: 1>} : vector<32x128xi32>
    %add3A_54 = arith.addi %mul3A_52, %iota3A_53 : vector<32x128xi32>
    %sub3A_55 = arith.constant 1.000000e+00 : f32
    %sub3A_56 = vector.broadcast %sub3A_55 : f32 to vector<32x128xf32>
    %sub3A_57 = arith.subf %add3A_49, %sub3A_56 : vector<32x128xf32>
    %convert_element_type3A_58 = arith.fptosi %sub3A_57 : vector<32x128xf32> to vector<32x128xi32>
    %add3A_59 = arith.constant 4096 : i32
    %add3A_60 = vector.broadcast %add3A_59 : i32 to vector<32x128xi32>
    %add3A_61 = arith.addi %add3A_60, %add3A_54 : vector<32x128xi32>
    %select_n3A = arith.select %or3A, %convert_element_type3A_58, %add3A_61 : vector<32x128xi1>, vector<32x128xi32>
    %swap3A = arith.constant 0 : index
    %swap3A_62 = arith.constant 0 : index
    %swap3A_63 = vector.load %arg1[%swap3A, %swap3A_62] : memref<32x128xi32, #tpu.memory_space<vmem>>, vector<32x128xi32>
    tpu.vector_store %arg1[%swap3A, %swap3A_62], %select_n3A {strides = array<i32>} : memref<32x128xi32, #tpu.memory_space<vmem>>, vector<32x128xi32>,
    %sub3A_64 = arith.constant 1.000000e+00 : f32
    %sub3A_65 = vector.broadcast %sub3A_64 : f32 to vector<32x128xf32>
    %sub3A_66 = arith.subf %sub3A_65, %get3A_1 : vector<32x128xf32>
    %jit3A = arith.constant 9.99999996E-13 : f32
    %jit3A_67 = arith.constant 1.000000e+00 : f32
    %max3A = vector.broadcast %jit3A : f32 to vector<32x128xf32>
    %max3A_68 = arith.maximumf %max3A, %sub3A_66 : vector<32x128xf32>
    %min3A = vector.broadcast %jit3A_67 : f32 to vector<32x128xf32>
    %min3A_69 = arith.minimumf %min3A, %max3A_68 : vector<32x128xf32>
    %log3A = math.log %min3A_69 : vector<32x128xf32>
    %jit3A_70 = arith.constant -1.000000e+02 : f32
    %jit3A_71 = arith.constant 0.000000e+00 : f32
    %max3A_72 = vector.broadcast %jit3A_70 : f32 to vector<32x128xf32>
    %max3A_73 = arith.maximumf %max3A_72, %log3A : vector<32x128xf32>
    %min3A_74 = vector.broadcast %jit3A_71 : f32 to vector<32x128xf32>
    %min3A_75 = arith.minimumf %min3A_74, %max3A_73 : vector<32x128xf32>
    %swap3A_76 = arith.constant 0 : index
    %swap3A_77 = arith.constant 0 : index
    %swap3A_78 = vector.load %arg2[%swap3A_76, %swap3A_77] : memref<32x128xf32, #tpu.memory_space<vmem>>, vector<32x128xf32>
    tpu.vector_store %arg2[%swap3A_76, %swap3A_77], %min3A_75 {strides = array<i32>} : memref<32x128xf32, #tpu.memory_space<vmem>>, vector<32x128xf32>,
    %reduce_sum3A_79 = vector.shape_cast %min3A_75 : vector<32x128xf32> to vector<1x32x128xf32>
    %reduce_sum3A_80 = arith.constant dense<0.000000e+00> : vector<1xf32>
    %reduce_sum3A_81 = vector.multi_reduction <add>, %reduce_sum3A_79, %reduce_sum3A_80 [1, 2] : vector<1x32x128xf32> to vector<1xf32>
    %reduce_sum3A_82 = vector.shape_cast %reduce_sum3A_81 : vector<1xf32> to vector<1x1x1xf32>
    %reduce_sum3A_83 = vector.extract %reduce_sum3A_82[0, 0, 0] : f32 from vector<1x1x1xf32>
    %reshape3A = vector.broadcast %reduce_sum3A_83 : f32 to vector<1x1xf32>
    %swap3A_84 = arith.constant 0 : index
    %swap3A_85 = arith.constant 0 : index
    %swap3A_86 = vector.load %arg3[%swap3A_84, %swap3A_85] : memref<1x1xf32, #tpu.memory_space<vmem>>, vector<1x1xf32>
    tpu.vector_store %arg3[%swap3A_84, %swap3A_85], %reshape3A {strides = array<i32>} : memref<1x1xf32, #tpu.memory_space<vmem>>, vector<1x1xf32>,
    return
  }
}

module attributes {stable_mosaic.version = 14 : i64} {
  func.func @_mlp_kernel(%arg0: i32, %arg1: memref<512x1024xf32, #tpu.memory_space<vmem>>, %arg2: memref<1024x3072xf32, #tpu.memory_space<vmem>>, %arg3: memref<1x3072xf32, #tpu.memory_space<vmem>>, %arg4: memref<1x3072xf32, #tpu.memory_space<vmem>>, %arg5: memref<1x3072xf32, #tpu.memory_space<vmem>>, %arg6: memref<3072x1xf32, #tpu.memory_space<vmem>>, %arg7: memref<1x1xf32, #tpu.memory_space<vmem>>, %arg8: memref<512x1xf32, #tpu.memory_space<vmem>>, %arg9: memref<512x128xf32, #tpu.memory_space<vmem>>) attributes {dimension_semantics = [#tpu.dimension_semantics<arbitrary>], iteration_bounds = array<i64: 8>, scalar_prefetch = 0 : i64, scratch_operands = 0 : i64, tpu.core_type = #tpu.core_type<tc>, window_params = [{transform_indices = @transform_0, window_bounds = array<i64: 512, 1024>}, {pipeline_mode = #tpu.pipeline_mode<synchronous>, transform_indices = @transform_1, window_bounds = array<i64: 1024, 3072>}, {pipeline_mode = #tpu.pipeline_mode<synchronous>, transform_indices = @transform_2, window_bounds = array<i64: 1, 3072>}, {pipeline_mode = #tpu.pipeline_mode<synchronous>, transform_indices = @transform_3, window_bounds = array<i64: 1, 3072>}, {pipeline_mode = #tpu.pipeline_mode<synchronous>, transform_indices = @transform_4, window_bounds = array<i64: 1, 3072>}, {pipeline_mode = #tpu.pipeline_mode<synchronous>, transform_indices = @transform_5, window_bounds = array<i64: 3072, 1>}, {pipeline_mode = #tpu.pipeline_mode<synchronous>, transform_indices = @transform_6, window_bounds = array<i64: 1, 1>}, {transform_indices = @transform_7, window_bounds = array<i64: 512, 1>}, {transform_indices = @transform_8, window_bounds = array<i64: 512, 128>}]} {
    %get3A = arith.constant 0 : index
    %get3A_0 = arith.constant 0 : index
    %get3A_1 = vector.load %arg1[%get3A, %get3A_0] : memref<512x1024xf32, #tpu.memory_space<vmem>>, vector<512x1024xf32>
    %get3A_2 = arith.constant 0 : index
    %get3A_3 = arith.constant 0 : index
    %get3A_4 = vector.load %arg2[%get3A_2, %get3A_3] : memref<1024x3072xf32, #tpu.memory_space<vmem>>, vector<1024x3072xf32>
    %dot_general3A = arith.constant dense<0.000000e+00> : vector<512x3072xf32>
    %dot_general3A_5 = tpu.matmul %get3A_1, %get3A_4, %dot_general3A {dimension_numbers = #tpu.dot_dimension_numbers<[1], [0], [0], [1], [0, 0, 1, 1], [], []>, transpose_lhs_hint = false} : vector<512x1024xf32>, vector<1024x3072xf32>, vector<512x3072xf32> -> vector<512x3072xf32>
    %get3A_6 = arith.constant 0 : index
    %get3A_7 = arith.constant 0 : index
    %get3A_8 = vector.load %arg3[%get3A_6, %get3A_7] : memref<1x3072xf32, #tpu.memory_space<vmem>>, vector<1x3072xf32>
    %add3A = vector.broadcast %get3A_8 : vector<1x3072xf32> to vector<512x3072xf32>
    %add3A_9 = arith.addf %dot_general3A_5, %add3A : vector<512x3072xf32>
    %mul3A = arith.constant 5.000000e-01 : f32
    %mul3A_10 = vector.broadcast %mul3A : f32 to vector<512x3072xf32>
    %mul3A_11 = arith.mulf %mul3A_10, %add3A_9 : vector<512x3072xf32>
    %mul3A_12 = arith.constant 0.707106769 : f32
    %mul3A_13 = vector.broadcast %mul3A_12 : f32 to vector<512x3072xf32>
    %mul3A_14 = arith.mulf %add3A_9, %mul3A_13 : vector<512x3072xf32>
    %erf3A = math.erf %mul3A_14 : vector<512x3072xf32>
    %add3A_15 = arith.constant 1.000000e+00 : f32
    %add3A_16 = vector.broadcast %add3A_15 : f32 to vector<512x3072xf32>
    %add3A_17 = arith.addf %add3A_16, %erf3A : vector<512x3072xf32>
    %mul3A_18 = arith.mulf %mul3A_11, %add3A_17 : vector<512x3072xf32>
    %reduce_sum3A = arith.constant dense<0.000000e+00> : vector<512xf32>
    %reduce_sum3A_19 = vector.multi_reduction <add>, %mul3A_18, %reduce_sum3A [1] : vector<512x3072xf32> to vector<512xf32>
    %broadcast_in_dim3A = vector.shape_cast %reduce_sum3A_19 : vector<512xf32> to vector<512x1xf32>
    %div3A = arith.constant 3.072000e+03 : f32
    %div3A_20 = vector.broadcast %div3A : f32 to vector<512x1xf32>
    %div3A_21 = arith.divf %broadcast_in_dim3A, %div3A_20 : vector<512x1xf32>
    %sub3A = vector.broadcast %div3A_21 : vector<512x1xf32> to vector<512x3072xf32>
    %sub3A_22 = arith.subf %mul3A_18, %sub3A : vector<512x3072xf32>
    %integer_pow3A = arith.mulf %sub3A_22, %sub3A_22 : vector<512x3072xf32>
    %reduce_sum3A_23 = arith.constant dense<0.000000e+00> : vector<512xf32>
    %reduce_sum3A_24 = vector.multi_reduction <add>, %integer_pow3A, %reduce_sum3A_23 [1] : vector<512x3072xf32> to vector<512xf32>
    %broadcast_in_dim3A_25 = vector.shape_cast %reduce_sum3A_24 : vector<512xf32> to vector<512x1xf32>
    %div3A_26 = arith.constant 3.072000e+03 : f32
    %div3A_27 = vector.broadcast %div3A_26 : f32 to vector<512x1xf32>
    %div3A_28 = arith.divf %broadcast_in_dim3A_25, %div3A_27 : vector<512x1xf32>
    %sub3A_29 = vector.broadcast %div3A_21 : vector<512x1xf32> to vector<512x3072xf32>
    %sub3A_30 = arith.subf %mul3A_18, %sub3A_29 : vector<512x3072xf32>
    %add3A_31 = arith.constant 9.99999974E-6 : f32
    %add3A_32 = vector.broadcast %add3A_31 : f32 to vector<512x1xf32>
    %add3A_33 = arith.addf %div3A_28, %add3A_32 : vector<512x1xf32>
    %sqrt3A = math.sqrt %add3A_33 : vector<512x1xf32>
    %div3A_34 = vector.broadcast %sqrt3A : vector<512x1xf32> to vector<512x3072xf32>
    %div3A_35 = arith.divf %sub3A_30, %div3A_34 : vector<512x3072xf32>
    %get3A_36 = arith.constant 0 : index
    %get3A_37 = arith.constant 0 : index
    %get3A_38 = vector.load %arg4[%get3A_36, %get3A_37] : memref<1x3072xf32, #tpu.memory_space<vmem>>, vector<1x3072xf32>
    %mul3A_39 = vector.broadcast %get3A_38 : vector<1x3072xf32> to vector<512x3072xf32>
    %mul3A_40 = arith.mulf %div3A_35, %mul3A_39 : vector<512x3072xf32>
    %get3A_41 = arith.constant 0 : index
    %get3A_42 = arith.constant 0 : index
    %get3A_43 = vector.load %arg5[%get3A_41, %get3A_42] : memref<1x3072xf32, #tpu.memory_space<vmem>>, vector<1x3072xf32>
    %add3A_44 = vector.broadcast %get3A_43 : vector<1x3072xf32> to vector<512x3072xf32>
    %add3A_45 = arith.addf %mul3A_40, %add3A_44 : vector<512x3072xf32>
    %get3A_46 = arith.constant 0 : index
    %get3A_47 = arith.constant 0 : index
    %get3A_48 = vector.load %arg6[%get3A_46, %get3A_47] : memref<3072x1xf32, #tpu.memory_space<vmem>>, vector<3072x1xf32>
    %dot_general3A_49 = arith.constant dense<0.000000e+00> : vector<512x1xf32>
    %dot_general3A_50 = tpu.matmul %add3A_45, %get3A_48, %dot_general3A_49 {dimension_numbers = #tpu.dot_dimension_numbers<[1], [0], [0], [1], [0, 0, 1, 1], [], []>, transpose_lhs_hint = false} : vector<512x3072xf32>, vector<3072x1xf32>, vector<512x1xf32> -> vector<512x1xf32>
    %get3A_51 = arith.constant 0 : index
    %get3A_52 = arith.constant 0 : index
    %get3A_53 = vector.load %arg7[%get3A_51, %get3A_52] : memref<1x1xf32, #tpu.memory_space<vmem>>, vector<1x1xf32>
    %add3A_54 = vector.broadcast %get3A_53 : vector<1x1xf32> to vector<512x1xf32>
    %add3A_55 = arith.addf %dot_general3A_50, %add3A_54 : vector<512x1xf32>
    %logistic3A = arith.negf %add3A_55 : vector<512x1xf32>
    %logistic3A_56 = math.exp %logistic3A : vector<512x1xf32>
    %logistic3A_57 = arith.constant 1.000000e+00 : f32
    %logistic3A_58 = vector.broadcast %logistic3A_57 : f32 to vector<512x1xf32>
    %logistic3A_59 = arith.addf %logistic3A_58, %logistic3A_56 : vector<512x1xf32>
    %logistic3A_60 = arith.divf %logistic3A_58, %logistic3A_59 : vector<512x1xf32>
    %swap3A = arith.constant 0 : index
    %swap3A_61 = arith.constant 0 : index
    %swap3A_62 = vector.load %arg8[%swap3A, %swap3A_61] : memref<512x1xf32, #tpu.memory_space<vmem>>, vector<512x1xf32>
    tpu.vector_store %arg8[%swap3A, %swap3A_61], %logistic3A_60 {strides = array<i32>} : memref<512x1xf32, #tpu.memory_space<vmem>>, vector<512x1xf32>,
    %mul3A_63 = arith.constant 512 : i32
    %mul3A_64 = arith.muli %arg0, %mul3A_63 : i32
    %iota3A = tpu.iota {dimensions = array<i32: 0>} : vector<512x1xi32>
    %add3A_65 = vector.broadcast %mul3A_64 : i32 to vector<512x1xi32>
    %add3A_66 = arith.addi %iota3A, %add3A_65 : vector<512x1xi32>
    %convert_element_type3A = arith.sitofp %add3A_66 : vector<512x1xi32> to vector<512x1xf32>
    %iota3A_67 = tpu.iota {dimensions = array<i32: 1>} : vector<512x128xi32>
    %eq3A = arith.constant 0 : i32
    %eq3A_68 = vector.broadcast %eq3A : i32 to vector<512x128xi32>
    %eq3A_69 = arith.cmpi eq, %iota3A_67, %eq3A_68 : vector<512x128xi32>
    %eq3A_70 = arith.constant 1 : i32
    %eq3A_71 = vector.broadcast %eq3A_70 : i32 to vector<512x128xi32>
    %eq3A_72 = arith.cmpi eq, %iota3A_67, %eq3A_71 : vector<512x128xi32>
    %jit3A = arith.constant 0.000000e+00 : f32
    %broadcast_in_dim3A_73 = vector.shape_cast %convert_element_type3A : vector<512x1xf32> to vector<512x1xf32>
    %broadcast_in_dim3A_74 = vector.broadcast %broadcast_in_dim3A_73 : vector<512x1xf32> to vector<512x128xf32>
    %broadcast_in_dim3A_75 = vector.broadcast %jit3A : f32 to vector<512x128xf32>
    %select_n3A = arith.select %eq3A_72, %broadcast_in_dim3A_74, %broadcast_in_dim3A_75 : vector<512x128xi1>, vector<512x128xf32>
    %broadcast_in_dim3A_76 = vector.shape_cast %logistic3A_60 : vector<512x1xf32> to vector<512x1xf32>
    %broadcast_in_dim3A_77 = vector.broadcast %broadcast_in_dim3A_76 : vector<512x1xf32> to vector<512x128xf32>
    %select_n3A_78 = arith.select %eq3A_69, %broadcast_in_dim3A_77, %select_n3A : vector<512x128xi1>, vector<512x128xf32>
    %swap3A_79 = arith.constant 0 : index
    %swap3A_80 = arith.constant 0 : index
    %swap3A_81 = vector.load %arg9[%swap3A_79, %swap3A_80] : memref<512x128xf32, #tpu.memory_space<vmem>>, vector<512x128xf32>
    tpu.vector_store %arg9[%swap3A_79, %swap3A_80], %select_n3A_78 {strides = array<i32>} : memref<512x128xf32, #tpu.memory_space<vmem>>, vector<512x128xf32>,
    return
  }
  func.func @transform_0(%arg0: i32) -> (i32, i32) {
    %c0_i32 = arith.constant 0 : i32
    %c0_i32_0 = arith.constant 0 : i32
    return %arg0, %c0_i32 : i32, i32
  }
  func.func @transform_1(%arg0: i32) -> (i32, i32) {
    %c0_i32 = arith.constant 0 : i32
    %c0_i32_0 = arith.constant 0 : i32
    %c0_i32_1 = arith.constant 0 : i32
    return %c0_i32, %c0_i32_0 : i32, i32
  }
  func.func @transform_2(%arg0: i32) -> (i32, i32) {
    %c0_i32 = arith.constant 0 : i32
    %c0_i32_0 = arith.constant 0 : i32
    %c0_i32_1 = arith.constant 0 : i32
    return %c0_i32, %c0_i32_0 : i32, i32
  }
  func.func @transform_3(%arg0: i32) -> (i32, i32) {
    %c0_i32 = arith.constant 0 : i32
    %c0_i32_0 = arith.constant 0 : i32
    %c0_i32_1 = arith.constant 0 : i32
    return %c0_i32, %c0_i32_0 : i32, i32
  }
  func.func @transform_4(%arg0: i32) -> (i32, i32) {
    %c0_i32 = arith.constant 0 : i32
    %c0_i32_0 = arith.constant 0 : i32
    %c0_i32_1 = arith.constant 0 : i32
    return %c0_i32, %c0_i32_0 : i32, i32
  }
  func.func @transform_5(%arg0: i32) -> (i32, i32) {
    %c0_i32 = arith.constant 0 : i32
    %c0_i32_0 = arith.constant 0 : i32
    %c0_i32_1 = arith.constant 0 : i32
    return %c0_i32, %c0_i32_0 : i32, i32
  }
  func.func @transform_6(%arg0: i32) -> (i32, i32) {
    %c0_i32 = arith.constant 0 : i32
    %c0_i32_0 = arith.constant 0 : i32
    %c0_i32_1 = arith.constant 0 : i32
    return %c0_i32, %c0_i32_0 : i32, i32
  }
  func.func @transform_7(%arg0: i32) -> (i32, i32) {
    %c0_i32 = arith.constant 0 : i32
    %c0_i32_0 = arith.constant 0 : i32
    return %arg0, %c0_i32 : i32, i32
  }
  func.func @transform_8(%arg0: i32) -> (i32, i32) {
    %c0_i32 = arith.constant 0 : i32
    %c0_i32_0 = arith.constant 0 : i32
    return %arg0, %c0_i32 : i32, i32
  }
}

module attributes {stable_mosaic.version = 14 : i64} {
  func.func @_cost_kernel(%arg0: memref<4096x1xf32, #tpu.memory_space<vmem>>, %arg1: memref<512x1xi32, #tpu.memory_space<vmem>>, %arg2: memref<4096x1xf32, #tpu.memory_space<vmem>>, %arg3: memref<1x1xf32, #tpu.memory_space<vmem>>, %arg4: memref<1x1xf32, #tpu.memory_space<vmem>>) attributes {dimension_semantics = [], scalar_prefetch = 0 : i64, scratch_operands = 0 : i64, tpu.core_type = #tpu.core_type<tc>} {
    %get3A = arith.constant 0 : index
    %get3A_0 = arith.constant 0 : index
    %get3A_1 = vector.load %arg0[%get3A, %get3A_0] : memref<4096x1xf32, #tpu.memory_space<vmem>>, vector<4096x1xf32>
    %convert_element_type3A = arith.truncf %get3A_1 : vector<4096x1xf32> to vector<4096x1xbf16>
    %convert_element_type3A_2 = arith.extf %convert_element_type3A : vector<4096x1xbf16> to vector<4096x1xf32>
    %sub3A = arith.subf %get3A_1, %convert_element_type3A_2 : vector<4096x1xf32>
    %convert_element_type3A_3 = arith.truncf %sub3A : vector<4096x1xf32> to vector<4096x1xbf16>
    %get3A_4 = arith.constant 0 : index
    %get3A_5 = arith.constant 0 : index
    %get3A_6 = vector.load %arg1[%get3A_4, %get3A_5] : memref<512x1xi32, #tpu.memory_space<vmem>>, vector<512x1xi32>
    %iota3A = tpu.iota {dimensions = array<i32: 1>} : vector<512x4096xi32>
    %eq3A = vector.broadcast %get3A_6 : vector<512x1xi32> to vector<512x4096xi32>
    %eq3A_7 = arith.cmpi eq, %eq3A, %iota3A : vector<512x4096xi32>
    %convert_element_type3A_8 = arith.extui %eq3A_7 : vector<512x4096xi1> to vector<512x4096xi32>
    %convert_element_type3A_9 = arith.sitofp %convert_element_type3A_8 : vector<512x4096xi32> to vector<512x4096xf32>
    %convert_element_type3A_10 = arith.truncf %convert_element_type3A_9 : vector<512x4096xf32> to vector<512x4096xbf16>
    %concatenate3A = tpu.concatenate %convert_element_type3A, %convert_element_type3A_3 in 1 : vector<4096x1xbf16>, vector<4096x1xbf16> -> vector<4096x2xbf16>
    %dot_general3A = arith.constant dense<0.000000e+00> : vector<512x2xf32>
    %dot_general3A_11 = tpu.matmul %convert_element_type3A_10, %concatenate3A, %dot_general3A {dimension_numbers = #tpu.dot_dimension_numbers<[1], [0], [0], [1], [0, 0, 1, 1], [], []>, transpose_lhs_hint = false} : vector<512x4096xbf16>, vector<4096x2xbf16>, vector<512x2xf32> -> vector<512x2xf32>
    %slice3A = vector.extract_strided_slice %dot_general3A_11 {offsets = [0, 0], sizes = [512, 1], strides = [1, 1]} : vector<512x2xf32> to vector<512x1xf32>
    %slice3A_12 = vector.extract_strided_slice %dot_general3A_11 {offsets = [0, 1], sizes = [512, 1], strides = [1, 1]} : vector<512x2xf32> to vector<512x1xf32>
    %add3A = arith.addf %slice3A, %slice3A_12 : vector<512x1xf32>
    %jit3A = arith.constant 9.99999996E-13 : f32
    %jit3A_13 = arith.constant 1.000000e+00 : f32
    %max3A = vector.broadcast %jit3A : f32 to vector<512x1xf32>
    %max3A_14 = arith.maximumf %max3A, %add3A : vector<512x1xf32>
    %min3A = vector.broadcast %jit3A_13 : f32 to vector<512x1xf32>
    %min3A_15 = arith.minimumf %min3A, %max3A_14 : vector<512x1xf32>
    %log3A = math.log %min3A_15 : vector<512x1xf32>
    %jit3A_16 = arith.constant -1.000000e+02 : f32
    %jit3A_17 = arith.constant 0.000000e+00 : f32
    %max3A_18 = vector.broadcast %jit3A_16 : f32 to vector<512x1xf32>
    %max3A_19 = arith.maximumf %max3A_18, %log3A : vector<512x1xf32>
    %min3A_20 = vector.broadcast %jit3A_17 : f32 to vector<512x1xf32>
    %min3A_21 = arith.minimumf %min3A_20, %max3A_19 : vector<512x1xf32>
    %reduce_sum3A = vector.shape_cast %min3A_21 : vector<512x1xf32> to vector<1x512x1xf32>
    %reduce_sum3A_22 = arith.constant dense<0.000000e+00> : vector<1xf32>
    %reduce_sum3A_23 = vector.multi_reduction <add>, %reduce_sum3A, %reduce_sum3A_22 [1, 2] : vector<1x512x1xf32> to vector<1xf32>
    %reduce_sum3A_24 = vector.shape_cast %reduce_sum3A_23 : vector<1xf32> to vector<1x1x1xf32>
    %reduce_sum3A_25 = vector.extract %reduce_sum3A_24[0, 0, 0] : f32 from vector<1x1x1xf32>
    %div3A = arith.constant 5.120000e+02 : f32
    %div3A_26 = arith.divf %reduce_sum3A_25, %div3A : f32
    %neg3A = arith.constant 0.000000e+00 : f32
    %neg3A_27 = arith.subf %neg3A, %div3A_26 : f32
    %broadcast_in_dim3A = arith.constant 1.000000e+00 : bf16
    %broadcast_in_dim3A_28 = vector.broadcast %broadcast_in_dim3A : bf16 to vector<1x512xbf16>
    %dot_general3A_29 = arith.constant dense<0.000000e+00> : vector<1x4096xf32>
    %dot_general3A_30 = tpu.matmul %broadcast_in_dim3A_28, %convert_element_type3A_10, %dot_general3A_29 {dimension_numbers = #tpu.dot_dimension_numbers<[1], [0], [0], [1], [0, 0, 1, 1], [], []>, transpose_lhs_hint = false} : vector<1x512xbf16>, vector<512x4096xbf16>, vector<1x4096xf32> -> vector<1x4096xf32>
    %gt3A = arith.constant 5.000000e-01 : f32
    %gt3A_31 = vector.broadcast %gt3A : f32 to vector<1x4096xf32>
    %gt3A_32 = arith.cmpf ogt, %dot_general3A_30, %gt3A_31 : vector<1x4096xf32>
    %convert_element_type3A_33 = arith.extui %gt3A_32 : vector<1x4096xi1> to vector<1x4096xi32>
    %convert_element_type3A_34 = arith.sitofp %convert_element_type3A_33 : vector<1x4096xi32> to vector<1x4096xf32>
    %get3A_35 = arith.constant 0 : index
    %get3A_36 = arith.constant 0 : index
    %get3A_37 = vector.load %arg2[%get3A_35, %get3A_36] : memref<4096x1xf32, #tpu.memory_space<vmem>>, vector<4096x1xf32>
    %convert_element_type3A_38 = arith.truncf %get3A_37 : vector<4096x1xf32> to vector<4096x1xbf16>
    %get3A_39 = arith.constant 0 : index
    %get3A_40 = arith.constant 0 : index
    %get3A_41 = vector.load %arg2[%get3A_39, %get3A_40] : memref<4096x1xf32, #tpu.memory_space<vmem>>, vector<4096x1xf32>
    %convert_element_type3A_42 = arith.extf %convert_element_type3A_38 : vector<4096x1xbf16> to vector<4096x1xf32>
    %sub3A_43 = arith.subf %get3A_41, %convert_element_type3A_42 : vector<4096x1xf32>
    %convert_element_type3A_44 = arith.truncf %sub3A_43 : vector<4096x1xf32> to vector<4096x1xbf16>
    %concatenate3A_45 = tpu.concatenate %convert_element_type3A_38, %convert_element_type3A_44 in 1 : vector<4096x1xbf16>, vector<4096x1xbf16> -> vector<4096x2xbf16>
    %convert_element_type3A_46 = arith.truncf %convert_element_type3A_34 : vector<1x4096xf32> to vector<1x4096xbf16>
    %dot_general3A_47 = arith.constant dense<0.000000e+00> : vector<1x2xf32>
    %dot_general3A_48 = tpu.matmul %convert_element_type3A_46, %concatenate3A_45, %dot_general3A_47 {dimension_numbers = #tpu.dot_dimension_numbers<[1], [0], [0], [1], [0, 0, 1, 1], [], []>, transpose_lhs_hint = false} : vector<1x4096xbf16>, vector<4096x2xbf16>, vector<1x2xf32> -> vector<1x2xf32>
    %slice3A_49 = vector.extract_strided_slice %dot_general3A_48 {offsets = [0, 0], sizes = [1, 1], strides = [1, 1]} : vector<1x2xf32> to vector<1x1xf32>
    %slice3A_50 = vector.extract_strided_slice %dot_general3A_48 {offsets = [0, 1], sizes = [1, 1], strides = [1, 1]} : vector<1x2xf32> to vector<1x1xf32>
    %add3A_51 = arith.addf %slice3A_49, %slice3A_50 : vector<1x1xf32>
    %reduce_sum3A_52 = vector.shape_cast %convert_element_type3A_34 : vector<1x4096xf32> to vector<1x1x4096xf32>
    %reduce_sum3A_53 = arith.constant dense<0.000000e+00> : vector<1xf32>
    %reduce_sum3A_54 = vector.multi_reduction <add>, %reduce_sum3A_52, %reduce_sum3A_53 [1, 2] : vector<1x1x4096xf32> to vector<1xf32>
    %reduce_sum3A_55 = vector.shape_cast %reduce_sum3A_54 : vector<1xf32> to vector<1x1x1xf32>
    %reduce_sum3A_56 = vector.extract %reduce_sum3A_55[0, 0, 0] : f32 from vector<1x1x1xf32>
    %sub3A_57 = arith.constant 4.096000e+03 : f32
    %sub3A_58 = arith.subf %sub3A_57, %reduce_sum3A_56 : f32
    %get3A_59 = arith.constant 0 : index
    %get3A_60 = arith.constant 0 : index
    %get3A_61 = vector.load %arg3[%get3A_59, %get3A_60] : memref<1x1xf32, #tpu.memory_space<vmem>>, vector<1x1xf32>
    %sub3A_62 = arith.subf %get3A_61, %add3A_51 : vector<1x1xf32>
    %reshape3A = vector.broadcast %neg3A_27 : f32 to vector<1x1xf32>
    %div3A_63 = vector.broadcast %sub3A_58 : f32 to vector<1x1xf32>
    %div3A_64 = arith.divf %sub3A_62, %div3A_63 : vector<1x1xf32>
    %sub3A_65 = arith.subf %reshape3A, %div3A_64 : vector<1x1xf32>
    %swap3A = arith.constant 0 : index
    %swap3A_66 = arith.constant 0 : index
    %swap3A_67 = vector.load %arg4[%swap3A, %swap3A_66] : memref<1x1xf32, #tpu.memory_space<vmem>>, vector<1x1xf32>
    tpu.vector_store %arg4[%swap3A, %swap3A_66], %sub3A_65 {strides = array<i32>} : memref<1x1xf32, #tpu.memory_space<vmem>>, vector<1x1xf32>,
    return
  }
}

</mosaic_0001>

<sc_bundles>
// kernel: kernel.6.cloned.1.call-start
scs
__scs_entry_jumppad:
0x0: {  	(pc) =	sbr.rel $0x88, $3  }
0x1: {  	(tag) =	ssettag $0x0;
	lr =	simm.s32 $0x1  }
0x2: {  	[smem:$0x3F99] =	sst lr;
	_ =	strace $0xD0000000  }
0x3: {  	_ = 	snop  }
0x4: {  	_ = 	snop  }
0x5: {  	_ = 	snop  }
0x6: {  	_ = 	snop  }
0x7: {  	_ = 	snop  }
__scs_overlays_trampoline_lowered:
0x8: {  	[smem:$0x3FA8] =	sst s0  }
0x9: {  	[smem:$0x3FA9] =	sst s1  }
0xa: {  	[smem:$0x3FAA] =	sst s2  }
0xb: {  	[smem:$0x3FAB] =	sst s3  }
0xc: {  	[smem:$0x3FAC] =	sst s4  }
0xd: {  	[smem:$0x3FAD] =	sst s5  }
0xe: {  	[smem:$0x3FAE] =	sst s6  }
0xf: {  	[smem:$0x3FAF] =	sst s7  }
0x10: {  	[smem:$0x3FB0] =	sst s8  }
0x11: {  	[smem:$0x3FB1] =	sst s9;
	s0 =	simm.s32 @!p0 $0x0  }
0x12: {  	s1 =	sld [smem:$0x3F97];
	s0 =	simm.s32 @p0 $0x1  }
0x13: {  	[smem:$0x3FB2] =	sst s0;
	s0 =	simm.s32 @!p1 $0x0  }
0x14: {  	s2 =	sld [smem:$0x3F96];
	s0 =	simm.s32 @p1 $0x1  }
0x15: {  	[smem:$0x3FB3] =	sst s0;
	s0 =	simm.s32 @!p2 $0x0  }
0x16: {  	s3 =	sld [smem:$0x3FDB];
	s0 =	simm.s32 @p2 $0x1  }
0x17: {  	s4 =	simm.s32 $0x1BF5;
	[smem:$0x3FB5] =	sst s0  }
0x18: {  	s0 =	sld [smem:$0x3F98];
	_ =	swait.ge [sflag:s4], $0x0  }
0x19: {  	s7 =	sld [smem:$0x3F99]  }
0x1a: {  	s8 =	sadd.s32 $0xFFFFE003, lr  }
0x1b: {  	s9 =	sadd.s32 $0xFFFFFEF7, lr;
	s5 =	simm.s32 $0xFFFFFFFF;
	p2 =	slt.u32 s8, $0xFFFFF086  }
0x1c: {  	p1 =	slt.u32 s9, $0xF7A;
	s5 =	simm.s32 @!p2 $0x0  }
0x1d: {  	s5 =	simm.s32 @p1 $0x1;
	p0 =	seq.s32 s7, s2  }
0x1e: {  	s7 =	smul.u32 @!p0 $0xF7A, s2;
	p2 =	seq.s32 @!p0 s5, $0x0  }
0x1f: {  	s9 =	smul.u32 $0xF7A, s1;
	s8 =	simm.s32 @!p0 $0x1BF5;
	p2 =	por !p2, p0  }
0x20: {  	[sflag:s8] =	ssyncset.s32 @!p0 $0xFFFFF086;
	s6 =	sadd.s32 @!p0 s3, s7;
	s7 =	simm.s32 @!p0 $0x108  }
0x21: {  	s3 =	sadd.s32 s3, s9;
	s6 =	sadd.s32 @!p0 $0x88, s6;
	s7 =	simm.s32 @p2 $0x1082  }
0x22: {  	[simem:s7], [sflag:s8] =	dma.local @!p0 [hbm:s6], $0xF7A  }
0x23: {  	s9 =	sor.u32 $0xD0000000, s2;
	s6 =	simm.s32 $0x108;
	_ =	swait.ge @!p0 [sflag:s8], $0x0  }
0x24: {  	s3 =	sadd.s32 $0x88, s3;
	s6 =	simm.s32 @!p1 $0x1082;
	[sflag:s4] =	ssyncset.s32 $0xFFFFF086  }
0x25: {  	[simem:s6], [sflag:s4] =	dma.local [hbm:s3], $0xF7A  }
0x26: {  	[smem:$0x3F99] =	sst s1;
	(tag) =	ssettag s2;
	_ =	strace s9  }
0x27: {  	s1 =	sld [smem:$0x3FA9]  }
0x28: {  	s2 =	sld [smem:$0x3FAA]  }
0x29: {  	s4 =	sld [smem:$0x3FAC]  }
0x2a: {  	p0 =	seq.s32 s5, $0x0;
	s5 =	sld [smem:$0x3FAD]  }
0x2b: {  	s6 =	sld [smem:$0x3FAE]  }
0x2c: {  	s7 =	sld [smem:$0x3FAF]  }
0x2d: {  	s3 =	simm.s32 $0x108;
	s8 =	sld [smem:$0x3FB0]  }
0x2e: {  	s3 =	simm.s32 @!p0 $0x1082;
	s9 =	sld [smem:$0x3FB1]  }
0x2f: {  	lr =	sadd.s32 s0, s3;
	s0 =	sld [smem:$0x3FA8]  }
0x30: {  	s3 =	sld [smem:$0x3FAB]  }
0x31: {  	[smem:$0x3FB4] =	sst s10  }
0x32: {  	s10 =	sld [smem:$0x3FB2];
	_ =	sdelay $0x3  }
0x33: {  	p0 =	seq.s32 s10, $0x1;
	s10 =	sld [smem:$0x3FB4];
	_ =	sdelay $0x3  }
0x34: {  	[smem:$0x3FB4] =	sst s10  }
0x35: {  	s10 =	sld [smem:$0x3FB3];
	_ =	sdelay $0x3  }
0x36: {  	p1 =	seq.s32 s10, $0x1;
	s10 =	sld [smem:$0x3FB4];
	_ =	sdelay $0x3  }
0x37: {  	[smem:$0x3FB4] =	sst s10  }
0x38: {  	s10 =	sld [smem:$0x3FB5]  }
0x39: {  	_ = 	snop;
	(pc) =	sbr.ind lr, $3  }
0x3a: {  	_ = 	snop  }
0x3b: {  	_ = 	snop  }
0x3c: {  	p2 =	seq.s32 s10, $0x1;
	s10 =	sld [smem:$0x3FB4]  }
0x3d: {  	_ =	shalt  }
0x3e: {  	_ =	shalt  }
0x3f: {  	_ =	shalt  }
0x40: {  	_ =	shalt  }
0x41: {  	_ =	shalt  }
0x42: {  	_ =	shalt  }
0x43: {  	_ =	shalt  }
0x44: {  	_ =	shalt  }
0x45: {  	_ =	shalt  }
0x46: {  	_ =	shalt  }
0x47: {  	_ =	shalt  }
0x48: {  	_ =	shalt  }
0x49: {  	_ =	shalt  }
0x4a: {  	_ =	shalt  }
0x4b: {  	_ =	shalt  }
0x4c: {  	_ =	shalt  }
0x4d: {  	_ =	shalt  }
0x4e: {  	_ =	shalt  }
0x4f: {  	_ =	shalt  }
0x50: {  	_ =	shalt  }
0x51: {  	_ =	shalt  }
0x52: {  	_ =	shalt  }
0x53: {  	_ =	shalt  }
0x54: {  	_ =	shalt  }
0x55: {  	_ =	shalt  }
0x56: {  	_ =	shalt  }
0x57: {  	_ =	shalt  }
0x58: {  	_ =	shalt  }
0x59: {  	_ =	shalt  }
0x5a: {  	_ =	shalt  }
0x5b: {  	_ =	shalt  }
0x5c: {  	_ =	shalt  }
0x5d: {  	_ =	shalt  }
0x5e: {  	_ =	shalt  }
0x5f: {  	_ =	shalt  }
0x60: {  	_ =	shalt  }
0x61: {  	_ =	shalt  }
0x62: {  	_ =	shalt  }
0x63: {  	_ =	shalt  }
0x64: {  	_ =	shalt  }
0x65: {  	_ =	shalt  }
0x66: {  	_ =	shalt  }
0x67: {  	_ =	shalt  }
0x68: {  	_ =	shalt  }
0x69: {  	_ =	shalt  }
0x6a: {  	_ =	shalt  }
0x6b: {  	_ =	shalt  }
0x6c: {  	_ =	shalt  }
0x6d: {  	_ =	shalt  }
0x6e: {  	_ =	shalt  }
0x6f: {  	_ =	shalt  }
0x70: {  	_ =	shalt  }
0x71: {  	_ =	shalt  }
0x72: {  	_ =	shalt  }
0x73: {  	_ =	shalt  }
0x74: {  	_ =	shalt  }
0x75: {  	_ =	shalt  }
0x76: {  	_ =	shalt  }
0x77: {  	_ =	shalt  }
0x78: {  	_ =	shalt  }
0x79: {  	_ =	shalt  }
0x7a: {  	_ =	shalt  }
0x7b: {  	_ =	shalt  }
0x7c: {  	_ =	shalt  }
0x7d: {  	_ =	shalt  }
0x7e: {  	_ =	shalt  }
0x7f: {  	_ =	shalt  }
0x80: {  	_ =	shalt  }
0x81: {  	_ =	shalt  }
0x82: {  	_ =	shalt  }
0x83: {  	_ =	shalt  }
0x84: {  	_ =	shalt  }
0x85: {  	_ =	shalt  }
0x86: {  	_ =	shalt  }
0x87: {  	_ =	shalt  }
.Lfunc_end0:
.L_simem_size_0:
called_computation_lowered:
.L_overlay_start_0:
0x88: {  	s2 =	sld [smem:$0x3FD9]  }
0x89: {  	s3 =	sld [smem:$0x3FFE];
	_ =	sdelay $0x1  }
0x8a: {  	s1 =	srdreg.scid  }
0x8b: {  	s0 =	sand.u32 $0x1, s1  }
0x8c: {  	s16 =	sshll.u32 s0, $0xA;
	s2 =	sadd.s32 s3, s2  }
0x8d: {  	s2 =	sadd.s32 s2, s16  }
0x8e: {  	[smem:$0x3FC0] =	sst s2  }
0x8f: {  	_ = 	snop  }
0x90: {  	(tm) =	ssettm $0x1  }
0x91: {  	s17 =	sld [smem:$0x3FFB];
	_ =	sdelay $0x3  }
0x92: {  	_ =	strace s17  }
0x93: {  	s2 =	sld [smem:$0x3FFC];
	_ =	sdelay $0x3  }
0x94: {  	_ =	strace s2  }
0x95: {  	s2 =	sld [smem:$0x3FFD];
	_ =	sdelay $0x3  }
0x96: {  	_ =	strace s2  }
0x97: {  	_ =	strace $0x8FFFFFFF  }
0x98: {  	s18 =	sld [smem:$0x3FDB];
	_ =	sdelay $0x1  }
0x99: {  	s19 =	simm.s32 $_scs_section_size  }
0x9a: {  	s4 =	simm.s32 $_size__tile_overlayer_lowered;
	s5 =	simm.s32 $_tile_overlayer_lowered  }
0x9b: {  	s22 =	simm.s32 $0x1BFF;
	s21 =	sshll.u32 s5, $0x1;
	s2 =	sadd.s32 s19, s18  }
0x9c: {  	s6 =	simm.s32 $0x0;
	s20 =	sshll.u32 s4, $0x1;
	s4 =	sadd.s32 s21, s2  }
0x9d: {  	[timem:s6], [sflag:s22] =	dma.local [hbm:s4], s20  }
0x9e: {  	_ =	swait.ge [sflag:s22], s20  }
0x9f: {  	s3 =	ssub.s32 $0x0, s20;
	[sflag:s22] =	ssyncset.done $0x0  }
0xa0: {  	[sflag:s22] =	ssyncadd.s32 s3;
	_ =	sdelay $0x1  }
0xa1: {  	s23 =	simm.s32 $0x1B8B  }
0xa2: {  	_ =	swait.ge [sflag:s23], $0x1  }
0xa3: {  	[sflag:s23] =	ssyncset.done $0x0  }
0xa4: {  	s25 =	simm.s32 $0x1B8E;
	s24 =	sld [smem:$0x3FFE];
	[sflag:s23] =	ssyncadd.s32 $0xFFFFFFFF  }
0xa5: {  	s26 =	simm.s32 $execute0_lowered;
	[smem:$0x3FD2] =	sst s25  }
0xa6: {  	s4 =	sshll.u32 s26, $0x1;
	_ =	strace $0x80000046;
	[dreg:$0x1] =	wrdreg $0xFFFFFFFF  }
0xa7: {  	s28 =	simm.s32 $_size_execute0_lowered;
	s2 =	sadd.s32 s2, s4;
	[dreg:$0x0] =	wrdreg $0x0  }
0xa8: {  	s4 =	sshll.u32 s28, $0x1;
	[dreg:$0x2] =	wrdreg s2  }
0xa9: {  	[dreg:$0x3] =	wrdreg s4  }
0xaa: {  	[dreg:$0x4] =	wrdreg $0xC0  }
0xab: {  	_ =	task [dreg:s6], $0x5FFFF  }
0xac: {  	[dreg:$0x1] =	wrdreg $0xFFFFFFFF  }
0xad: {  	[dreg:$0x0] =	wrdreg $0x60  }
0xae: {  	[dreg:$0x2] =	wrdreg s24  }
0xaf: {  	[dreg:$0x3] =	wrdreg $0x9  }
0xb0: {  	_ =	task.clear_ibuf [dreg:s6], $0x4FFFF;
	_ =	strace $0x90000046  }
0xb1: {  	s29 =	simm.s32 $0x9;
	_ =	strace $0x8000004C  }
0xb2: {  	_ =	swait.ge [sflag:s29], $0x1  }
0xb3: {  	[sflag:s29] =	ssyncadd.s32 $0xFFFFFFFF  }
0xb4: {  	_ =	strace $0x9000004C  }
0xb5: {  	_ =	sfence  }
0xb6: {  	s30 =	sld [smem:$0x0];
	_ =	sdelay $0x2  }
0xb7: {  	s31 =	sshll.u32 s1, $0xD;
	s1 =	sshrl.u32 s1, $0x2  }
0xb8: {  	s3 =	sand.u32 $0x4000, s31;
	s1 =	sadd.s32 s1, s30  }
0xb9: {  	s0 =	sor.u32 s3, s0;
	s1 =	sshll.u32 s1, $0x11  }
0xba: {  	s0 =	sor.u32 s1, s0  }
0xbb: {  	s0 =	sadd.s32 $0x8F2B, s0  }
0xbc: {  	[sflag:s0] =	ssyncadd.remote.s32 $0x1  }
0xbd: {  	_ =	sfence.sel $0xFFFF  }
0xbe: {  	[dreg:$0x0] =	wrdreg $0xFFFFFFFF;
	(pc) =	sbr.abs _section_cstart, $3  }
0xbf: {  	[dreg:$0x1] =	wrdreg $0xFFFFFFFF  }
0xc0: {  	_ =	task.clear_ibuf [dreg:s6], $0x2FFFF;
	_ =	strace $0x9FFFFFFF  }
0xc1: {  	(tm) =	ssettm $0x7FFFFFFF  }
tec
execute0_lowered:
.L_overlay_start_1:
0x0: {  	(tag) =	ssettag $0x1  }
0x1: {  	s8 =	rddreg [dreg:$0x0];
	s1 =	srdreg.scid  }
0x2: {  	s0 =	rddreg [dreg:$0x1];
	s2 =	simm.s32 $0x0;
	s9 =	sand.u32 $0x1, s1  }
0x3: {  	[smem:$0x7FF] =	sst s2;
	s1 =	stileid.u32;
	s3 =	sshll.u32 s9, $0x4  }
0x4: {  	_ =	strace $0x80000047;
	s4 =	sshll.u32 s1, $0x4;
	s3 =	sor.u32 s1, s3  }
0x5: {  	s4 =	sand.u32 $0x70, s4;
	s5 =	sshll.u32 s3, $0xB;
	s3 =	sshll.u32 s3, $0x4  }
0x6: {  	s4 =	sadd.s32 s4, s8;
	s5 =	sadd.s32 s5, s8;
	s6 =	sand.u32 $0x180, s3  }
0x7: {  	_ =	strace $0x80000048;
	s3 =	sadd.s32 $0x600, s5;
	s4 =	sadd.s32 s6, s4  }
0x8: {  	[tilespmem:s2], [sflag:$0x1] =	stream.linear.gather [hbm4b:s3+s2], $0x4000, $0x200038;
	[tilespmem:$0x8100] =	vst v63  }
0x9: {  	s5 =	simm.s32 $0x8000;
	s4 =	sadd.s32 $0x10600, s4  }
0xa: {  	[tilespmem:s5], [sflag:$0x3] =	stream.linear.gather [hbm4b:s4+s2], $0x80, $0x200038;
	[tilespmem:$0x8100] =	vst v63  }
0xb: {  	_ =	strace $0x90000048  }
0xc: {  	s6 =	simm.s32 $0x1;
	_ =	strace $0x80000049  }
0xd: {  	_ =	swait.ge [sflag:s6], $0x4000  }
0xe: {  	[sflag:s6] =	ssyncset.done $0x0  }
0xf: {  	[sflag:s6] =	ssyncadd.s32 $0xFFFFC000  }
0x10: {  	_ =	strace $0x90000049  }
0x11: {  	s7 =	simm.s32 $0x3;
	s9 =	ssub.s32 $0x2, s9;
	_ =	strace $0x8000004A  }
0x12: {  	s10 =	sshrl.u32 s9, $0x1;
	_ =	swait.ge [sflag:s7], $0x80  }
0x13: {  	s11 =	ssub.s32 s9, s10;
	[sflag:s7] =	ssyncset.done $0x0  }
0x14: {  	s9 =	simm.s32 $0x80;
	s11 =	smax.u32 s11, $0x1;
	[sflag:s7] =	ssyncadd.s32 $0xFFFFFF80  }
0x15: {  	s10 =	simm.s32 $0x5;
	p0 =	sne.s32 s11, $0x1;
	_ =	strace $0x9000004A  }
.Ltmp0:
0x16: {  	s8 =	sadd.s32 $0x10800, s8;
	_ =	strace $0x8000004B;
	(pc) =	sbr.rel @!p0 .LBB2_2-.Ltmp0, $4  }
0x17: {  	[hbm4b:s8+s9] =	stream.indirect.scatter [tilespmem:s2], [sflag:$0x5], $0x80, s5, s9, $0x2000b8;
	[tilespmem:$0x8100] =	vst v63  }
0x18: {  	_ =	swait.ge [sflag:s10], $0x4000  }
0x19: {  	[sflag:s10] =	ssyncset.done $0x0  }
0x1a: {  	s11 =	sadd.s32 $0xFFFFFFFF, s11;
	[sflag:s10] =	ssyncadd.s32 $0xFFFFC000  }
.LBB2_1:
0x1b: {  	p0 =	sne.s32 s11, $0x1;
	s11 =	sadd.s32 $0xFFFFFFFF, s11;
	_ =	strace $0x9000004B  }
0x1c: {  	_ =	strace $0x80000048  }
0x1d: {  	[tilespmem:s2], [sflag:$0x1] =	stream.linear.gather [hbm4b:s3+s2], $0x4000, $0x200038;
	[tilespmem:$0x8100] =	vst v63  }
0x1e: {  	_ = 	snop  }
0x1f: {  	[tilespmem:s5], [sflag:$0x3] =	stream.linear.gather [hbm4b:s4+s2], $0x80, $0x200038;
	[tilespmem:$0x8100] =	vst v63  }
0x20: {  	_ =	strace $0x90000048  }
0x21: {  	_ =	strace $0x80000049  }
0x22: {  	_ =	swait.ge [sflag:s6], $0x4000  }
0x23: {  	[sflag:s6] =	ssyncset.done $0x0  }
0x24: {  	[sflag:s6] =	ssyncadd.s32 $0xFFFFC000  }
0x25: {  	_ =	strace $0x90000049  }
0x26: {  	_ =	strace $0x8000004A  }
0x27: {  	_ =	swait.ge [sflag:s7], $0x80  }
0x28: {  	[sflag:s7] =	ssyncset.done $0x0  }
0x29: {  	[sflag:s7] =	ssyncadd.s32 $0xFFFFFF80  }
0x2a: {  	_ =	strace $0x9000004A  }
.Ltmp1:
0x2b: {  	_ =	strace $0x8000004B;
	(pc) =	sbr.rel @p0 .LBB2_1-.Ltmp1, $4  }
0x2c: {  	[hbm4b:s8+s9] =	stream.indirect.scatter [tilespmem:s2], [sflag:$0x5], $0x80, s5, s9, $0x2000b8;
	[tilespmem:$0x8100] =	vst v63  }
0x2d: {  	_ =	swait.ge [sflag:s10], $0x4000  }
0x2e: {  	[sflag:s10] =	ssyncset.done $0x0  }
0x2f: {  	[sflag:s10] =	ssyncadd.s32 $0xFFFFC000  }
.LBB2_2:
0x30: {  	_ =	strace $0x9000004B  }
0x31: {  	_ =	sfence.sel $0x180000  }
0x32: {  	[bflag:$0x0] =	sbarrier.arrive $0xFFFF  }
0x33: {  	p0 =	sne.s32 s1, $0x0;
	_ =	strace $0x90000047  }
0x34: {  	s0 =	sadd.s32 @!p0 $0x100000, s0;
	[bflag:$0x2] =	sbarrier.arrive $0xFFFF  }
0x35: {  	[sflag:s0] =	ssyncadd.tile.s32 @!p0 $0x1;
	_ =	shalt  }
.Lfunc_end2:
_tile_overlayer_lowered:
.L_overlay_start_2:
0x36: {  	(tag) =	ssettag $0x2  }
0x37: {  	s0 =	rddreg [dreg:$0x0];
	s2 =	stileid.u32  }
0x38: {  	s1 =	rddreg [dreg:$0x1];
	p0 =	sne.s32 s2, $0x0  }
0x39: {  	s3 =	rddreg [dreg:$0x2];
	[bflag:$0x3] =	sbarrier.arrive $0xFFFF;
	s2 =	simm.s32 @!p0 $0x1C01  }
0x3a: {  	[timem:s3], [sflag:s2] =	dma.local @!p0 [hbm:s0], s1  }
0x3b: {  	s0 =	simm.s32 @!p0 $0x1  }
0x3c: {  	_ =	swait.ge @!p0 [sflag:s0], s1  }
0x3d: {  	s1 =	ssub.s32 @!p0 $0x0, s1;
	[sflag:s0] =	ssyncset.done @!p0 $0x0  }
0x3e: {  	[sflag:s0] =	ssyncadd.s32 @!p0 s1  }
0x3f: {  	[bflag:$0x3] =	sbarrier.arrive $0xFFFF  }
0x40: {  	_ =	shalt  }

</sc_bundles>
